<compile_context>
chip_gen: v7x
topology: tpu7x:2x2x1
jax: 0.10.2.dev20260603
libtpu: 0.0.44.dev20260713+nightly
codegen_flags: <defaults>
</compile_context>

<pallas_src>
import functools

import jax
import jax.numpy as jnp
from jax import lax
from jax.experimental import pallas as pl
from jax.experimental.pallas import tpu as pltpu
from jax.experimental.pallas import tpu_sc as plsc

BATCH = 4096
SEQ = 200
D = 128
NC = 2
NS = 16
NW = NC * NS
SPW = BATCH // NW
C0 = 128
C1 = SEQ - C0
NBUF = 2
NLG = D // 16


def _bow_body(inputs_hbm, table_hbm, bias_hbm, out_hbm,
              idx_slab, rows, out_slab, bias_v, sem0, sem1):
    wid = lax.axis_index("s") * NC + lax.axis_index("c")
    base = wid * SPW
    pltpu.sync_copy(inputs_hbm.at[pl.ds(base, SPW)], idx_slab)
    pltpu.sync_copy(bias_hbm, bias_v)
    sems = (sem0, sem1)

    def issue(i, buf):
        pltpu.async_copy(table_hbm.at[idx_slab.at[i, pl.ds(0, C0)]],
                         rows.at[buf, pl.ds(0, C0)], sems[buf])
        pltpu.async_copy(table_hbm.at[idx_slab.at[i, pl.ds(C0, C1)]],
                         rows.at[buf, pl.ds(C0, C1)], sems[buf])

    def wait(buf):
        pltpu.make_async_copy(table_hbm.at[pl.ds(0, C0)],
                              rows.at[buf, pl.ds(0, C0)], sems[buf]).wait()
        pltpu.make_async_copy(table_hbm.at[pl.ds(0, C1)],
                              rows.at[buf, pl.ds(C0, C1)], sems[buf]).wait()

    issue(0, 0)

    def outer(k, carry):
        i0 = k * NBUF
        for b in range(NBUF):
            i = i0 + b

            @pl.when(i + 1 < SPW)
            def _():
                issue(i + 1, (b + 1) % NBUF)

            wait(b)
            accs = tuple(bias_v[pl.ds(j * 16, 16)] for j in range(NLG))

            def rbody(r, a):
                return tuple(a[j] + rows[b, r, pl.ds(j * 16, 16)]
                             for j in range(NLG))

            accs = lax.fori_loop(0, SEQ, rbody, accs, unroll=4)
            for j in range(NLG):
                out_slab[i, pl.ds(j * 16, 16)] = accs[j]
        return carry

    lax.fori_loop(0, SPW // NBUF, outer, 0)
    pltpu.sync_copy(out_slab, out_hbm.at[pl.ds(base, SPW)])


@jax.jit
def _bow(inputs, table, bias):
    kfn = pl.kernel(
        _bow_body,
        out_type=jax.ShapeDtypeStruct((BATCH, D), jnp.float32),
        mesh=plsc.VectorSubcoreMesh(core_axis_name="c", subcore_axis_name="s"),
        scratch_types=[
            pltpu.VMEM((SPW, SEQ), jnp.int32),
            pltpu.VMEM((NBUF, SEQ, D), jnp.float32),
            pltpu.VMEM((SPW, D), jnp.float32),
            pltpu.VMEM((D,), jnp.float32),
            pltpu.SemaphoreType.DMA,
            pltpu.SemaphoreType.DMA,
        ],
    )
    return kfn(inputs, table, bias)


def kernel(inputs, table, bias):
    return _bow(inputs.astype(jnp.int32), table, bias)

# --- scband reference (transcript-rebuilt; emitter-appended) ---
"""Pipeline reference for scband-bow-3307124818193 (READ-ONLY COPY).

The authoritative reference and input builder live on the scoring server;
editing this copy changes nothing except your own understanding.
"""

import jax, jax.numpy as jnp
import numpy as np

VOCAB_SIZE = 100000
EMBED_DIM = 128
PAD_IDX = 0
BATCH = 4096
SEQ = 200

def setup_inputs(seed: int = 0) -> dict:
    key = jax.random.key(seed)
    k1, k2 = jax.random.split(key)
    inputs = jax.random.randint(k1, (BATCH, SEQ), 0, VOCAB_SIZE, dtype=jnp.int64 if jax.config.jax_enable_x64 else jnp.int32)
    table = jax.random.normal(k2, (VOCAB_SIZE, EMBED_DIM), dtype=jnp.float32)
    # padding_idx row is zeros in nn.Embedding
    table = table.at[PAD_IDX].set(0.0)
    bias = jnp.zeros((EMBED_DIM,), dtype=jnp.float32)
    return {"inputs": inputs, "table": table, "bias": bias}

def reference(inputs, table, bias):
    # Faithful translation of BOW.forward:
    #   embeds = self.embed(inputs); logits = embeds.sum(dim=1) + self.bias
    # padding_idx semantics: row PAD_IDX is zero
    tbl = table.at[PAD_IDX].set(0.0)
    embeds = jnp.take(tbl, inputs, axis=0)          # [B, S, D] gather
    logits = embeds.sum(axis=1) + bias               # [B, D]
    return logits

if __name__ == "__main__":
    import jax
    _d = setup_inputs()
    print(jax.jit(kernel)(*tuple(_d.values())))

</pallas_src>

<mosaic_0001>
#map = affine_map<(d0, d1) -> (0, 0)>
#map1 = affine_map<(d0, d1) -> (0)>
module attributes {stable_mosaic.version = 14 : i64} {
  func.func @_bow_body(%arg0: i32, %arg1: i32, %arg2: memref<4096x200xi32, #tpu.memory_space<hbm>>, %arg3: memref<100000x128xf32, #tpu.memory_space<hbm>>, %arg4: memref<128xf32, #tpu.memory_space<hbm>>, %arg5: memref<4096x128xf32, #tpu.memory_space<hbm>>, %arg6: memref<128x200xi32, #tpu.memory_space<vmem>>, %arg7: memref<2x200x128xf32, #tpu.memory_space<vmem>>, %arg8: memref<128x128xf32, #tpu.memory_space<vmem>>, %arg9: memref<128xf32, #tpu.memory_space<vmem>>, %arg10: memref<!tpu.dma_semaphore, #tpu.memory_space<semaphore_mem>>, %arg11: memref<!tpu.dma_semaphore, #tpu.memory_space<semaphore_mem>>) attributes {dimension_semantics = [#tpu.dimension_semantics<core_parallel>, #tpu.dimension_semantics<subcore_parallel>], iteration_bounds = array<i64: 2, 16>, scalar_prefetch = 0 : i64, scratch_operands = 6 : i64, tpu.core_type = #tpu.core_type<sc_vector_subcore>, window_params = [{transform_indices = #map}, {transform_indices = #map}, {transform_indices = #map1}, {transform_indices = #map}]} {
    %mul3A = arith.constant 2 : i32
    %mul3A_0 = arith.muli %arg1, %mul3A : i32
    %add3A = arith.addi %mul3A_0, %arg0 : i32
    %mul3A_1 = arith.constant 128 : i32
    %mul3A_2 = arith.muli %add3A, %mul3A_1 : i32
    "tpu.region"() ({
      %run_scoped3A = tpu.sem_alloc : memref<!tpu.dma_semaphore, #tpu.memory_space<semaphore_mem>>
      %dma_start3A_31 = arith.constant 0 : i32
      %dma_start3A_32 = tpu.memref_slice %arg2[%mul3A_2, %dma_start3A_31] : memref<4096x200xi32, #tpu.memory_space<hbm>> -> memref<128x200xi32, #tpu.memory_space<hbm>>
      %dma_start3A_33 = arith.constant 0 : i32
      %dma_start3A_34 = tpu.memref_slice %arg2[%mul3A_2, %dma_start3A_33] : memref<4096x200xi32, #tpu.memory_space<hbm>> -> memref<128x200xi32, #tpu.memory_space<hbm>>
      tpu.enqueue_dma source(%dma_start3A_34 : memref<128x200xi32, #tpu.memory_space<hbm>>) target(%arg6 : memref<128x200xi32, #tpu.memory_space<vmem>>) target_semaphore(%run_scoped3A : memref<!tpu.dma_semaphore, #tpu.memory_space<semaphore_mem>>)
      %dma_wait3A = arith.constant 0 : i32
      %dma_wait3A_35 = tpu.memref_slice %arg2[%mul3A_2, %dma_wait3A] : memref<4096x200xi32, #tpu.memory_space<hbm>> -> memref<128x200xi32, #tpu.memory_space<hbm>>
      %dma_wait3A_36 = arith.constant 0 : i32
      %dma_wait3A_37 = tpu.memref_slice %arg2[%mul3A_2, %dma_wait3A_36] : memref<4096x200xi32, #tpu.memory_space<hbm>> -> memref<128x200xi32, #tpu.memory_space<hbm>>
      tpu.wait_dma2 semaphore(%run_scoped3A : memref<!tpu.dma_semaphore, #tpu.memory_space<semaphore_mem>>) src(%dma_wait3A_37 : memref<128x200xi32, #tpu.memory_space<hbm>>) dst(%arg6 : memref<128x200xi32, #tpu.memory_space<vmem>>)
      tpu.yield
    }) : () -> ()
    "tpu.region"() ({
      %run_scoped3A = tpu.sem_alloc : memref<!tpu.dma_semaphore, #tpu.memory_space<semaphore_mem>>
      tpu.enqueue_dma source(%arg4 : memref<128xf32, #tpu.memory_space<hbm>>) target(%arg9 : memref<128xf32, #tpu.memory_space<vmem>>) target_semaphore(%run_scoped3A : memref<!tpu.dma_semaphore, #tpu.memory_space<semaphore_mem>>)
      tpu.wait_dma2 semaphore(%run_scoped3A : memref<!tpu.dma_semaphore, #tpu.memory_space<semaphore_mem>>) src(%arg4 : memref<128xf32, #tpu.memory_space<hbm>>) dst(%arg9 : memref<128xf32, #tpu.memory_space<vmem>>)
      tpu.yield
    }) : () -> ()
    %dma_start3A = arith.constant 0 : i32
    %dma_start3A_3 = arith.constant 0 : i32
    %dma_start3A_4 = arith.constant 0 : i32
    %dma_start3A_5 = arith.constant 0 : i32
    %dma_start3A_6 = tpu.memref_slice %arg7[%dma_start3A_3, %dma_start3A_4, %dma_start3A_5] : memref<2x200x128xf32, #tpu.memory_space<vmem>> -> memref<1x128x128xf32, #tpu.memory_space<vmem>>
    %dma_start3A_7 = tpu.memref_squeeze %dma_start3A_6 : memref<1x128x128xf32, #tpu.memory_space<vmem>> -> memref<128x128xf32, #tpu.memory_space<vmem>>
    %dma_start3A_8 = arith.constant 0 : i32
    %dma_start3A_9 = tpu.memref_slice %arg6[%dma_start3A, %dma_start3A_8] : memref<128x200xi32, #tpu.memory_space<vmem>> -> memref<1x128xi32, #tpu.memory_space<vmem>>
    %dma_start3A_10 = tpu.memref_squeeze %dma_start3A_9 : memref<1x128xi32, #tpu.memory_space<vmem>> -> memref<128xi32, #tpu.memory_space<vmem>>
    %dma_start3A_11 = arith.constant 0 : i32
    %dma_start3A_12 = arith.constant 0 : i32
    %dma_start3A_13 = tpu.memref_slice %arg3[%dma_start3A_11, %dma_start3A_12] : memref<100000x128xf32, #tpu.memory_space<hbm>> -> memref<100000x128xf32, #tpu.memory_space<hbm>>
    tpu.enqueue_indirect_dma source(%dma_start3A_13 : memref<100000x128xf32, #tpu.memory_space<hbm>>) target(%dma_start3A_7 : memref<128x128xf32, #tpu.memory_space<vmem>>) offsets(%dma_start3A_10 : memref<128xi32, #tpu.memory_space<vmem>>) semaphore(%arg10 : memref<!tpu.dma_semaphore, #tpu.memory_space<semaphore_mem>>)
    %dma_start3A_14 = arith.constant 0 : i32
    %dma_start3A_15 = arith.constant 0 : i32
    %dma_start3A_16 = arith.constant 128 : i32
    %dma_start3A_17 = arith.constant 0 : i32
    %dma_start3A_18 = tpu.memref_slice %arg7[%dma_start3A_15, %dma_start3A_16, %dma_start3A_17] : memref<2x200x128xf32, #tpu.memory_space<vmem>> -> memref<1x72x128xf32, #tpu.memory_space<vmem>>
    %dma_start3A_19 = tpu.memref_squeeze %dma_start3A_18 : memref<1x72x128xf32, #tpu.memory_space<vmem>> -> memref<72x128xf32, #tpu.memory_space<vmem>>
    %dma_start3A_20 = arith.constant 128 : i32
    %dma_start3A_21 = tpu.memref_slice %arg6[%dma_start3A_14, %dma_start3A_20] : memref<128x200xi32, #tpu.memory_space<vmem>> -> memref<1x72xi32, #tpu.memory_space<vmem>>
    %dma_start3A_22 = tpu.memref_squeeze %dma_start3A_21 : memref<1x72xi32, #tpu.memory_space<vmem>> -> memref<72xi32, #tpu.memory_space<vmem>>
    %dma_start3A_23 = arith.constant 0 : i32
    %dma_start3A_24 = arith.constant 0 : i32
    %dma_start3A_25 = tpu.memref_slice %arg3[%dma_start3A_23, %dma_start3A_24] : memref<100000x128xf32, #tpu.memory_space<hbm>> -> memref<100000x128xf32, #tpu.memory_space<hbm>>
    tpu.enqueue_indirect_dma source(%dma_start3A_25 : memref<100000x128xf32, #tpu.memory_space<hbm>>) target(%dma_start3A_19 : memref<72x128xf32, #tpu.memory_space<vmem>>) offsets(%dma_start3A_22 : memref<72xi32, #tpu.memory_space<vmem>>) semaphore(%arg10 : memref<!tpu.dma_semaphore, #tpu.memory_space<semaphore_mem>>)
    %scan3A = arith.constant 0 : i32
    %scan3A_26 = arith.constant 0 : i32
    %scan3A_27 = arith.constant 64 : i32
    %scan3A_28 = arith.addi %scan3A_26, %scan3A_27 : i32
    %scan3A_29 = arith.constant 1 : i32
    scf.for %scan3A_31 = %scan3A_26 to %scan3A_28 step %scan3A_29  : i32 {
      %mul3A_32 = arith.constant 2 : i32
      %mul3A_33 = arith.muli %scan3A_31, %mul3A_32 : i32
      %add3A_34 = arith.constant 0 : i32
      %add3A_35 = arith.addi %mul3A_33, %add3A_34 : i32
      %add3A_36 = arith.constant 1 : i32
      %add3A_37 = arith.addi %add3A_35, %add3A_36 : i32
      %lt3A = arith.constant 128 : i32
      %lt3A_38 = arith.cmpi slt, %add3A_37, %lt3A : i32
      %convert_element_type3A = arith.extui %lt3A_38 : i1 to i32
      %cond3A = arith.constant 0 : i32
      %cond3A_39 = arith.cmpi ne, %convert_element_type3A, %cond3A : i32
      scf.if %cond3A_39 {
        %add3A_246 = arith.constant 1 : i32
        %add3A_247 = arith.addi %add3A_35, %add3A_246 : i32
        %dma_start3A_248 = arith.constant 1 : i32
        %dma_start3A_249 = arith.constant 0 : i32
        %dma_start3A_250 = arith.constant 0 : i32
        %dma_start3A_251 = tpu.memref_slice %arg7[%dma_start3A_248, %dma_start3A_249, %dma_start3A_250] : memref<2x200x128xf32, #tpu.memory_space<vmem>> -> memref<1x128x128xf32, #tpu.memory_space<vmem>>
        %dma_start3A_252 = tpu.memref_squeeze %dma_start3A_251 : memref<1x128x128xf32, #tpu.memory_space<vmem>> -> memref<128x128xf32, #tpu.memory_space<vmem>>
        %dma_start3A_253 = arith.constant 0 : i32
        %dma_start3A_254 = tpu.memref_slice %arg6[%add3A_247, %dma_start3A_253] : memref<128x200xi32, #tpu.memory_space<vmem>> -> memref<1x128xi32, #tpu.memory_space<vmem>>
        %dma_start3A_255 = tpu.memref_squeeze %dma_start3A_254 : memref<1x128xi32, #tpu.memory_space<vmem>> -> memref<128xi32, #tpu.memory_space<vmem>>
        %dma_start3A_256 = arith.constant 0 : i32
        %dma_start3A_257 = arith.constant 0 : i32
        %dma_start3A_258 = tpu.memref_slice %arg3[%dma_start3A_256, %dma_start3A_257] : memref<100000x128xf32, #tpu.memory_space<hbm>> -> memref<100000x128xf32, #tpu.memory_space<hbm>>
        tpu.enqueue_indirect_dma source(%dma_start3A_258 : memref<100000x128xf32, #tpu.memory_space<hbm>>) target(%dma_start3A_252 : memref<128x128xf32, #tpu.memory_space<vmem>>) offsets(%dma_start3A_255 : memref<128xi32, #tpu.memory_space<vmem>>) semaphore(%arg11 : memref<!tpu.dma_semaphore, #tpu.memory_space<semaphore_mem>>)
        %dma_start3A_259 = arith.constant 1 : i32
        %dma_start3A_260 = arith.constant 128 : i32
        %dma_start3A_261 = arith.constant 0 : i32
        %dma_start3A_262 = tpu.memref_slice %arg7[%dma_start3A_259, %dma_start3A_260, %dma_start3A_261] : memref<2x200x128xf32, #tpu.memory_space<vmem>> -> memref<1x72x128xf32, #tpu.memory_space<vmem>>
        %dma_start3A_263 = tpu.memref_squeeze %dma_start3A_262 : memref<1x72x128xf32, #tpu.memory_space<vmem>> -> memref<72x128xf32, #tpu.memory_space<vmem>>
        %dma_start3A_264 = arith.constant 128 : i32
        %dma_start3A_265 = tpu.memref_slice %arg6[%add3A_247, %dma_start3A_264] : memref<128x200xi32, #tpu.memory_space<vmem>> -> memref<1x72xi32, #tpu.memory_space<vmem>>
        %dma_start3A_266 = tpu.memref_squeeze %dma_start3A_265 : memref<1x72xi32, #tpu.memory_space<vmem>> -> memref<72xi32, #tpu.memory_space<vmem>>
        %dma_start3A_267 = arith.constant 0 : i32
        %dma_start3A_268 = arith.constant 0 : i32
        %dma_start3A_269 = tpu.memref_slice %arg3[%dma_start3A_267, %dma_start3A_268] : memref<100000x128xf32, #tpu.memory_space<hbm>> -> memref<100000x128xf32, #tpu.memory_space<hbm>>
        tpu.enqueue_indirect_dma source(%dma_start3A_269 : memref<100000x128xf32, #tpu.memory_space<hbm>>) target(%dma_start3A_263 : memref<72x128xf32, #tpu.memory_space<vmem>>) offsets(%dma_start3A_266 : memref<72xi32, #tpu.memory_space<vmem>>) semaphore(%arg11 : memref<!tpu.dma_semaphore, #tpu.memory_space<semaphore_mem>>)
      } else {
      }
      %dma_wait3A = arith.constant 0 : i32
      %dma_wait3A_40 = arith.constant 0 : i32
      %dma_wait3A_41 = arith.constant 0 : i32
      %dma_wait3A_42 = tpu.memref_slice %arg7[%dma_wait3A, %dma_wait3A_40, %dma_wait3A_41] : memref<2x200x128xf32, #tpu.memory_space<vmem>> -> memref<1x128x128xf32, #tpu.memory_space<vmem>>
      %dma_wait3A_43 = tpu.memref_squeeze %dma_wait3A_42 : memref<1x128x128xf32, #tpu.memory_space<vmem>> -> memref<128x128xf32, #tpu.memory_space<vmem>>
      %dma_wait3A_44 = arith.constant 0 : i32
      %dma_wait3A_45 = arith.constant 0 : i32
      %dma_wait3A_46 = tpu.memref_slice %arg3[%dma_wait3A_44, %dma_wait3A_45] : memref<100000x128xf32, #tpu.memory_space<hbm>> -> memref<128x128xf32, #tpu.memory_space<hbm>>
      %dma_wait3A_47 = arith.constant 0 : i32
      %dma_wait3A_48 = arith.constant 0 : i32
      %dma_wait3A_49 = tpu.memref_slice %arg7[%dma_wait3A, %dma_wait3A_47, %dma_wait3A_48] : memref<2x200x128xf32, #tpu.memory_space<vmem>> -> memref<1x128x128xf32, #tpu.memory_space<vmem>>
      %dma_wait3A_50 = tpu.memref_squeeze %dma_wait3A_49 : memref<1x128x128xf32, #tpu.memory_space<vmem>> -> memref<128x128xf32, #tpu.memory_space<vmem>>
      %dma_wait3A_51 = arith.constant 0 : i32
      %dma_wait3A_52 = arith.constant 0 : i32
      %dma_wait3A_53 = tpu.memref_slice %arg3[%dma_wait3A_51, %dma_wait3A_52] : memref<100000x128xf32, #tpu.memory_space<hbm>> -> memref<128x128xf32, #tpu.memory_space<hbm>>
      tpu.wait_dma2 semaphore(%arg10 : memref<!tpu.dma_semaphore, #tpu.memory_space<semaphore_mem>>) src(%dma_wait3A_53 : memref<128x128xf32, #tpu.memory_space<hbm>>) dst(%dma_wait3A_50 : memref<128x128xf32, #tpu.memory_space<vmem>>)
      %dma_wait3A_54 = arith.constant 0 : i32
      %dma_wait3A_55 = arith.constant 128 : i32
      %dma_wait3A_56 = arith.constant 0 : i32
      %dma_wait3A_57 = tpu.memref_slice %arg7[%dma_wait3A_54, %dma_wait3A_55, %dma_wait3A_56] : memref<2x200x128xf32, #tpu.memory_space<vmem>> -> memref<1x72x128xf32, #tpu.memory_space<vmem>>
      %dma_wait3A_58 = tpu.memref_squeeze %dma_wait3A_57 : memref<1x72x128xf32, #tpu.memory_space<vmem>> -> memref<72x128xf32, #tpu.memory_space<vmem>>
      %dma_wait3A_59 = arith.constant 0 : i32
      %dma_wait3A_60 = arith.constant 0 : i32
      %dma_wait3A_61 = tpu.memref_slice %arg3[%dma_wait3A_59, %dma_wait3A_60] : memref<100000x128xf32, #tpu.memory_space<hbm>> -> memref<72x128xf32, #tpu.memory_space<hbm>>
      %dma_wait3A_62 = arith.constant 128 : i32
      %dma_wait3A_63 = arith.constant 0 : i32
      %dma_wait3A_64 = tpu.memref_slice %arg7[%dma_wait3A_54, %dma_wait3A_62, %dma_wait3A_63] : memref<2x200x128xf32, #tpu.memory_space<vmem>> -> memref<1x72x128xf32, #tpu.memory_space<vmem>>
      %dma_wait3A_65 = tpu.memref_squeeze %dma_wait3A_64 : memref<1x72x128xf32, #tpu.memory_space<vmem>> -> memref<72x128xf32, #tpu.memory_space<vmem>>
      %dma_wait3A_66 = arith.constant 0 : i32
      %dma_wait3A_67 = arith.constant 0 : i32
      %dma_wait3A_68 = tpu.memref_slice %arg3[%dma_wait3A_66, %dma_wait3A_67] : memref<100000x128xf32, #tpu.memory_space<hbm>> -> memref<72x128xf32, #tpu.memory_space<hbm>>
      tpu.wait_dma2 semaphore(%arg10 : memref<!tpu.dma_semaphore, #tpu.memory_space<semaphore_mem>>) src(%dma_wait3A_68 : memref<72x128xf32, #tpu.memory_space<hbm>>) dst(%dma_wait3A_65 : memref<72x128xf32, #tpu.memory_space<vmem>>)
      %get3A = arith.constant 0 : index
      %get3A_69 = tpu.vector_load %arg9[%get3A] {strides = array<i32>} : memref<128xf32, #tpu.memory_space<vmem>>, vector<16xf32>,
      %get3A_70 = vector.shape_cast %get3A_69 : vector<16xf32> to vector<16xf32>
      %get3A_71 = arith.constant 16 : index
      %get3A_72 = tpu.vector_load %arg9[%get3A_71] {strides = array<i32>} : memref<128xf32, #tpu.memory_space<vmem>>, vector<16xf32>,
      %get3A_73 = vector.shape_cast %get3A_72 : vector<16xf32> to vector<16xf32>
      %get3A_74 = arith.constant 32 : index
      %get3A_75 = tpu.vector_load %arg9[%get3A_74] {strides = array<i32>} : memref<128xf32, #tpu.memory_space<vmem>>, vector<16xf32>,
      %get3A_76 = vector.shape_cast %get3A_75 : vector<16xf32> to vector<16xf32>
      %get3A_77 = arith.constant 48 : index
      %get3A_78 = tpu.vector_load %arg9[%get3A_77] {strides = array<i32>} : memref<128xf32, #tpu.memory_space<vmem>>, vector<16xf32>,
      %get3A_79 = vector.shape_cast %get3A_78 : vector<16xf32> to vector<16xf32>
      %get3A_80 = arith.constant 64 : index
      %get3A_81 = tpu.vector_load %arg9[%get3A_80] {strides = array<i32>} : memref<128xf32, #tpu.memory_space<vmem>>, vector<16xf32>,
      %get3A_82 = vector.shape_cast %get3A_81 : vector<16xf32> to vector<16xf32>
      %get3A_83 = arith.constant 80 : index
      %get3A_84 = tpu.vector_load %arg9[%get3A_83] {strides = array<i32>} : memref<128xf32, #tpu.memory_space<vmem>>, vector<16xf32>,
      %get3A_85 = vector.shape_cast %get3A_84 : vector<16xf32> to vector<16xf32>
      %get3A_86 = arith.constant 96 : index
      %get3A_87 = tpu.vector_load %arg9[%get3A_86] {strides = array<i32>} : memref<128xf32, #tpu.memory_space<vmem>>, vector<16xf32>,
      %get3A_88 = vector.shape_cast %get3A_87 : vector<16xf32> to vector<16xf32>
      %get3A_89 = arith.constant 112 : index
      %get3A_90 = tpu.vector_load %arg9[%get3A_89] {strides = array<i32>} : memref<128xf32, #tpu.memory_space<vmem>>, vector<16xf32>,
      %get3A_91 = vector.shape_cast %get3A_90 : vector<16xf32> to vector<16xf32>
      %scan3A_92 = arith.constant 0 : i32
      %scan3A_93 = arith.constant 200 : i32
      %scan3A_94 = arith.addi %scan3A_92, %scan3A_93 : i32
      %scan3A_95 = arith.constant 4 : i32
      %scan3A_96:8 = scf.for %scan3A_246 = %scan3A_92 to %scan3A_94 step %scan3A_95 iter_args(%scan3A_247 = %get3A_70, %scan3A_248 = %get3A_73, %scan3A_249 = %get3A_76, %scan3A_250 = %get3A_79, %scan3A_251 = %get3A_82, %scan3A_252 = %get3A_85, %scan3A_253 = %get3A_88, %scan3A_254 = %get3A_91) -> (vector<16xf32>, vector<16xf32>, vector<16xf32>, vector<16xf32>, vector<16xf32>, vector<16xf32>, vector<16xf32>, vector<16xf32>)  : i32 {
        %get3A_255 = arith.constant 0 : i32
        %get3A_256 = arith.index_cast %get3A_255 : i32 to index
        %get3A_257 = arith.index_cast %scan3A_246 : i32 to index
        %get3A_258 = arith.constant 0 : index
        %get3A_259 = tpu.vector_load %arg7[%get3A_256, %get3A_257, %get3A_258] {strides = array<i32>} : memref<2x200x128xf32, #tpu.memory_space<vmem>>, vector<1x1x16xf32>,
        %get3A_260 = vector.shape_cast %get3A_259 : vector<1x1x16xf32> to vector<16xf32>
        %add3A_261 = arith.addf %scan3A_247, %get3A_260 : vector<16xf32>
        %get3A_262 = arith.constant 0 : i32
        %get3A_263 = arith.index_cast %get3A_262 : i32 to index
        %get3A_264 = arith.index_cast %scan3A_246 : i32 to index
        %get3A_265 = arith.constant 16 : index
        %get3A_266 = tpu.vector_load %arg7[%get3A_263, %get3A_264, %get3A_265] {strides = array<i32>} : memref<2x200x128xf32, #tpu.memory_space<vmem>>, vector<1x1x16xf32>,
        %get3A_267 = vector.shape_cast %get3A_266 : vector<1x1x16xf32> to vector<16xf32>
        %add3A_268 = arith.addf %scan3A_248, %get3A_267 : vector<16xf32>
        %get3A_269 = arith.constant 0 : i32
        %get3A_270 = arith.index_cast %get3A_269 : i32 to index
        %get3A_271 = arith.index_cast %scan3A_246 : i32 to index
        %get3A_272 = arith.constant 32 : index
        %get3A_273 = tpu.vector_load %arg7[%get3A_270, %get3A_271, %get3A_272] {strides = array<i32>} : memref<2x200x128xf32, #tpu.memory_space<vmem>>, vector<1x1x16xf32>,
        %get3A_274 = vector.shape_cast %get3A_273 : vector<1x1x16xf32> to vector<16xf32>
        %add3A_275 = arith.addf %scan3A_249, %get3A_274 : vector<16xf32>
        %get3A_276 = arith.constant 0 : i32
        %get3A_277 = arith.index_cast %get3A_276 : i32 to index
        %get3A_278 = arith.index_cast %scan3A_246 : i32 to index
        %get3A_279 = arith.constant 48 : index
        %get3A_280 = tpu.vector_load %arg7[%get3A_277, %get3A_278, %get3A_279] {strides = array<i32>} : memref<2x200x128xf32, #tpu.memory_space<vmem>>, vector<1x1x16xf32>,
        %get3A_281 = vector.shape_cast %get3A_280 : vector<1x1x16xf32> to vector<16xf32>
        %add3A_282 = arith.addf %scan3A_250, %get3A_281 : vector<16xf32>
        %get3A_283 = arith.constant 0 : i32
        %get3A_284 = arith.index_cast %get3A_283 : i32 to index
        %get3A_285 = arith.index_cast %scan3A_246 : i32 to index
        %get3A_286 = arith.constant 64 : index
        %get3A_287 = tpu.vector_load %arg7[%get3A_284, %get3A_285, %get3A_286] {strides = array<i32>} : memref<2x200x128xf32, #tpu.memory_space<vmem>>, vector<1x1x16xf32>,
        %get3A_288 = vector.shape_cast %get3A_287 : vector<1x1x16xf32> to vector<16xf32>
        %add3A_289 = arith.addf %scan3A_251, %get3A_288 : vector<16xf32>
        %get3A_290 = arith.constant 0 : i32
        %get3A_291 = arith.index_cast %get3A_290 : i32 to index
        %get3A_292 = arith.index_cast %scan3A_246 : i32 to index
        %get3A_293 = arith.constant 80 : index
        %get3A_294 = tpu.vector_load %arg7[%get3A_291, %get3A_292, %get3A_293] {strides = array<i32>} : memref<2x200x128xf32, #tpu.memory_space<vmem>>, vector<1x1x16xf32>,
        %get3A_295 = vector.shape_cast %get3A_294 : vector<1x1x16xf32> to vector<16xf32>
        %add3A_296 = arith.addf %scan3A_252, %get3A_295 : vector<16xf32>
        %get3A_297 = arith.constant 0 : i32
        %get3A_298 = arith.index_cast %get3A_297 : i32 to index
        %get3A_299 = arith.index_cast %scan3A_246 : i32 to index
        %get3A_300 = arith.constant 96 : index
        %get3A_301 = tpu.vector_load %arg7[%get3A_298, %get3A_299, %get3A_300] {strides = array<i32>} : memref<2x200x128xf32, #tpu.memory_space<vmem>>, vector<1x1x16xf32>,
        %get3A_302 = vector.shape_cast %get3A_301 : vector<1x1x16xf32> to vector<16xf32>
        %add3A_303 = arith.addf %scan3A_253, %get3A_302 : vector<16xf32>
        %get3A_304 = arith.constant 0 : i32
        %get3A_305 = arith.index_cast %get3A_304 : i32 to index
        %get3A_306 = arith.index_cast %scan3A_246 : i32 to index
        %get3A_307 = arith.constant 112 : index
        %get3A_308 = tpu.vector_load %arg7[%get3A_305, %get3A_306, %get3A_307] {strides = array<i32>} : memref<2x200x128xf32, #tpu.memory_space<vmem>>, vector<1x1x16xf32>,
        %get3A_309 = vector.shape_cast %get3A_308 : vector<1x1x16xf32> to vector<16xf32>
        %add3A_310 = arith.addf %scan3A_254, %get3A_309 : vector<16xf32>
        %scan3A_311 = arith.constant 1 : i32
        %scan3A_312 = arith.addi %scan3A_246, %scan3A_311 : i32
        %get3A_313 = arith.constant 0 : i32
        %get3A_314 = arith.index_cast %get3A_313 : i32 to index
        %get3A_315 = arith.index_cast %scan3A_312 : i32 to index
        %get3A_316 = arith.constant 0 : index
        %get3A_317 = tpu.vector_load %arg7[%get3A_314, %get3A_315, %get3A_316] {strides = array<i32>} : memref<2x200x128xf32, #tpu.memory_space<vmem>>, vector<1x1x16xf32>,
        %get3A_318 = vector.shape_cast %get3A_317 : vector<1x1x16xf32> to vector<16xf32>
        %add3A_319 = arith.addf %add3A_261, %get3A_318 : vector<16xf32>
        %get3A_320 = arith.constant 0 : i32
        %get3A_321 = arith.index_cast %get3A_320 : i32 to index
        %get3A_322 = arith.index_cast %scan3A_312 : i32 to index
        %get3A_323 = arith.constant 16 : index
        %get3A_324 = tpu.vector_load %arg7[%get3A_321, %get3A_322, %get3A_323] {strides = array<i32>} : memref<2x200x128xf32, #tpu.memory_space<vmem>>, vector<1x1x16xf32>,
        %get3A_325 = vector.shape_cast %get3A_324 : vector<1x1x16xf32> to vector<16xf32>
        %add3A_326 = arith.addf %add3A_268, %get3A_325 : vector<16xf32>
        %get3A_327 = arith.constant 0 : i32
        %get3A_328 = arith.index_cast %get3A_327 : i32 to index
        %get3A_329 = arith.index_cast %scan3A_312 : i32 to index
        %get3A_330 = arith.constant 32 : index
        %get3A_331 = tpu.vector_load %arg7[%get3A_328, %get3A_329, %get3A_330] {strides = array<i32>} : memref<2x200x128xf32, #tpu.memory_space<vmem>>, vector<1x1x16xf32>,
        %get3A_332 = vector.shape_cast %get3A_331 : vector<1x1x16xf32> to vector<16xf32>
        %add3A_333 = arith.addf %add3A_275, %get3A_332 : vector<16xf32>
        %get3A_334 = arith.constant 0 : i32
        %get3A_335 = arith.index_cast %get3A_334 : i32 to index
        %get3A_336 = arith.index_cast %scan3A_312 : i32 to index
        %get3A_337 = arith.constant 48 : index
        %get3A_338 = tpu.vector_load %arg7[%get3A_335, %get3A_336, %get3A_337] {strides = array<i32>} : memref<2x200x128xf32, #tpu.memory_space<vmem>>, vector<1x1x16xf32>,
        %get3A_339 = vector.shape_cast %get3A_338 : vector<1x1x16xf32> to vector<16xf32>
        %add3A_340 = arith.addf %add3A_282, %get3A_339 : vector<16xf32>
        %get3A_341 = arith.constant 0 : i32
        %get3A_342 = arith.index_cast %get3A_341 : i32 to index
        %get3A_343 = arith.index_cast %scan3A_312 : i32 to index
        %get3A_344 = arith.constant 64 : index
        %get3A_345 = tpu.vector_load %arg7[%get3A_342, %get3A_343, %get3A_344] {strides = array<i32>} : memref<2x200x128xf32, #tpu.memory_space<vmem>>, vector<1x1x16xf32>,
        %get3A_346 = vector.shape_cast %get3A_345 : vector<1x1x16xf32> to vector<16xf32>
        %add3A_347 = arith.addf %add3A_289, %get3A_346 : vector<16xf32>
        %get3A_348 = arith.constant 0 : i32
        %get3A_349 = arith.index_cast %get3A_348 : i32 to index
        %get3A_350 = arith.index_cast %scan3A_312 : i32 to index
        %get3A_351 = arith.constant 80 : index
        %get3A_352 = tpu.vector_load %arg7[%get3A_349, %get3A_350, %get3A_351] {strides = array<i32>} : memref<2x200x128xf32, #tpu.memory_space<vmem>>, vector<1x1x16xf32>,
        %get3A_353 = vector.shape_cast %get3A_352 : vector<1x1x16xf32> to vector<16xf32>
        %add3A_354 = arith.addf %add3A_296, %get3A_353 : vector<16xf32>
        %get3A_355 = arith.constant 0 : i32
        %get3A_356 = arith.index_cast %get3A_355 : i32 to index
        %get3A_357 = arith.index_cast %scan3A_312 : i32 to index
        %get3A_358 = arith.constant 96 : index
        %get3A_359 = tpu.vector_load %arg7[%get3A_356, %get3A_357, %get3A_358] {strides = array<i32>} : memref<2x200x128xf32, #tpu.memory_space<vmem>>, vector<1x1x16xf32>,
        %get3A_360 = vector.shape_cast %get3A_359 : vector<1x1x16xf32> to vector<16xf32>
        %add3A_361 = arith.addf %add3A_303, %get3A_360 : vector<16xf32>
        %get3A_362 = arith.constant 0 : i32
        %get3A_363 = arith.index_cast %get3A_362 : i32 to index
        %get3A_364 = arith.index_cast %scan3A_312 : i32 to index
        %get3A_365 = arith.constant 112 : index
        %get3A_366 = tpu.vector_load %arg7[%get3A_363, %get3A_364, %get3A_365] {strides = array<i32>} : memref<2x200x128xf32, #tpu.memory_space<vmem>>, vector<1x1x16xf32>,
        %get3A_367 = vector.shape_cast %get3A_366 : vector<1x1x16xf32> to vector<16xf32>
        %add3A_368 = arith.addf %add3A_310, %get3A_367 : vector<16xf32>
        %scan3A_369 = arith.constant 2 : i32
        %scan3A_370 = arith.addi %scan3A_246, %scan3A_369 : i32
        %get3A_371 = arith.constant 0 : i32
        %get3A_372 = arith.index_cast %get3A_371 : i32 to index
        %get3A_373 = arith.index_cast %scan3A_370 : i32 to index
        %get3A_374 = arith.constant 0 : index
        %get3A_375 = tpu.vector_load %arg7[%get3A_372, %get3A_373, %get3A_374] {strides = array<i32>} : memref<2x200x128xf32, #tpu.memory_space<vmem>>, vector<1x1x16xf32>,
        %get3A_376 = vector.shape_cast %get3A_375 : vector<1x1x16xf32> to vector<16xf32>
        %add3A_377 = arith.addf %add3A_319, %get3A_376 : vector<16xf32>
        %get3A_378 = arith.constant 0 : i32
        %get3A_379 = arith.index_cast %get3A_378 : i32 to index
        %get3A_380 = arith.index_cast %scan3A_370 : i32 to index
        %get3A_381 = arith.constant 16 : index
        %get3A_382 = tpu.vector_load %arg7[%get3A_379, %get3A_380, %get3A_381] {strides = array<i32>} : memref<2x200x128xf32, #tpu.memory_space<vmem>>, vector<1x1x16xf32>,
        %get3A_383 = vector.shape_cast %get3A_382 : vector<1x1x16xf32> to vector<16xf32>
        %add3A_384 = arith.addf %add3A_326, %get3A_383 : vector<16xf32>
        %get3A_385 = arith.constant 0 : i32
        %get3A_386 = arith.index_cast %get3A_385 : i32 to index
        %get3A_387 = arith.index_cast %scan3A_370 : i32 to index
        %get3A_388 = arith.constant 32 : index
        %get3A_389 = tpu.vector_load %arg7[%get3A_386, %get3A_387, %get3A_388] {strides = array<i32>} : memref<2x200x128xf32, #tpu.memory_space<vmem>>, vector<1x1x16xf32>,
        %get3A_390 = vector.shape_cast %get3A_389 : vector<1x1x16xf32> to vector<16xf32>
        %add3A_391 = arith.addf %add3A_333, %get3A_390 : vector<16xf32>
        %get3A_392 = arith.constant 0 : i32
        %get3A_393 = arith.index_cast %get3A_392 : i32 to index
        %get3A_394 = arith.index_cast %scan3A_370 : i32 to index
        %get3A_395 = arith.constant 48 : index
        %get3A_396 = tpu.vector_load %arg7[%get3A_393, %get3A_394, %get3A_395] {strides = array<i32>} : memref<2x200x128xf32, #tpu.memory_space<vmem>>, vector<1x1x16xf32>,
        %get3A_397 = vector.shape_cast %get3A_396 : vector<1x1x16xf32> to vector<16xf32>
        %add3A_398 = arith.addf %add3A_340, %get3A_397 : vector<16xf32>
        %get3A_399 = arith.constant 0 : i32
        %get3A_400 = arith.index_cast %get3A_399 : i32 to index
        %get3A_401 = arith.index_cast %scan3A_370 : i32 to index
        %get3A_402 = arith.constant 64 : index
        %get3A_403 = tpu.vector_load %arg7[%get3A_400, %get3A_401, %get3A_402] {strides = array<i32>} : memref<2x200x128xf32, #tpu.memory_space<vmem>>, vector<1x1x16xf32>,
        %get3A_404 = vector.shape_cast %get3A_403 : vector<1x1x16xf32> to vector<16xf32>
        %add3A_405 = arith.addf %add3A_347, %get3A_404 : vector<16xf32>
        %get3A_406 = arith.constant 0 : i32
        %get3A_407 = arith.index_cast %get3A_406 : i32 to index
        %get3A_408 = arith.index_cast %scan3A_370 : i32 to index
        %get3A_409 = arith.constant 80 : index
        %get3A_410 = tpu.vector_load %arg7[%get3A_407, %get3A_408, %get3A_409] {strides = array<i32>} : memref<2x200x128xf32, #tpu.memory_space<vmem>>, vector<1x1x16xf32>,
        %get3A_411 = vector.shape_cast %get3A_410 : vector<1x1x16xf32> to vector<16xf32>
        %add3A_412 = arith.addf %add3A_354, %get3A_411 : vector<16xf32>
        %get3A_413 = arith.constant 0 : i32
        %get3A_414 = arith.index_cast %get3A_413 : i32 to index
        %get3A_415 = arith.index_cast %scan3A_370 : i32 to index
        %get3A_416 = arith.constant 96 : index
        %get3A_417 = tpu.vector_load %arg7[%get3A_414, %get3A_415, %get3A_416] {strides = array<i32>} : memref<2x200x128xf32, #tpu.memory_space<vmem>>, vector<1x1x16xf32>,
        %get3A_418 = vector.shape_cast %get3A_417 : vector<1x1x16xf32> to vector<16xf32>
        %add3A_419 = arith.addf %add3A_361, %get3A_418 : vector<16xf32>
        %get3A_420 = arith.constant 0 : i32
        %get3A_421 = arith.index_cast %get3A_420 : i32 to index
        %get3A_422 = arith.index_cast %scan3A_370 : i32 to index
        %get3A_423 = arith.constant 112 : index
        %get3A_424 = tpu.vector_load %arg7[%get3A_421, %get3A_422, %get3A_423] {strides = array<i32>} : memref<2x200x128xf32, #tpu.memory_space<vmem>>, vector<1x1x16xf32>,
        %get3A_425 = vector.shape_cast %get3A_424 : vector<1x1x16xf32> to vector<16xf32>
        %add3A_426 = arith.addf %add3A_368, %get3A_425 : vector<16xf32>
        %scan3A_427 = arith.constant 3 : i32
        %scan3A_428 = arith.addi %scan3A_246, %scan3A_427 : i32
        %get3A_429 = arith.constant 0 : i32
        %get3A_430 = arith.index_cast %get3A_429 : i32 to index
        %get3A_431 = arith.index_cast %scan3A_428 : i32 to index
        %get3A_432 = arith.constant 0 : index
        %get3A_433 = tpu.vector_load %arg7[%get3A_430, %get3A_431, %get3A_432] {strides = array<i32>} : memref<2x200x128xf32, #tpu.memory_space<vmem>>, vector<1x1x16xf32>,
        %get3A_434 = vector.shape_cast %get3A_433 : vector<1x1x16xf32> to vector<16xf32>
        %add3A_435 = arith.addf %add3A_377, %get3A_434 : vector<16xf32>
        %get3A_436 = arith.constant 0 : i32
        %get3A_437 = arith.index_cast %get3A_436 : i32 to index
        %get3A_438 = arith.index_cast %scan3A_428 : i32 to index
        %get3A_439 = arith.constant 16 : index
        %get3A_440 = tpu.vector_load %arg7[%get3A_437, %get3A_438, %get3A_439] {strides = array<i32>} : memref<2x200x128xf32, #tpu.memory_space<vmem>>, vector<1x1x16xf32>,
        %get3A_441 = vector.shape_cast %get3A_440 : vector<1x1x16xf32> to vector<16xf32>
        %add3A_442 = arith.addf %add3A_384, %get3A_441 : vector<16xf32>
        %get3A_443 = arith.constant 0 : i32
        %get3A_444 = arith.index_cast %get3A_443 : i32 to index
        %get3A_445 = arith.index_cast %scan3A_428 : i32 to index
        %get3A_446 = arith.constant 32 : index
        %get3A_447 = tpu.vector_load %arg7[%get3A_444, %get3A_445, %get3A_446] {strides = array<i32>} : memref<2x200x128xf32, #tpu.memory_space<vmem>>, vector<1x1x16xf32>,
        %get3A_448 = vector.shape_cast %get3A_447 : vector<1x1x16xf32> to vector<16xf32>
        %add3A_449 = arith.addf %add3A_391, %get3A_448 : vector<16xf32>
        %get3A_450 = arith.constant 0 : i32
        %get3A_451 = arith.index_cast %get3A_450 : i32 to index
        %get3A_452 = arith.index_cast %scan3A_428 : i32 to index
        %get3A_453 = arith.constant 48 : index
        %get3A_454 = tpu.vector_load %arg7[%get3A_451, %get3A_452, %get3A_453] {strides = array<i32>} : memref<2x200x128xf32, #tpu.memory_space<vmem>>, vector<1x1x16xf32>,
        %get3A_455 = vector.shape_cast %get3A_454 : vector<1x1x16xf32> to vector<16xf32>
        %add3A_456 = arith.addf %add3A_398, %get3A_455 : vector<16xf32>
        %get3A_457 = arith.constant 0 : i32
        %get3A_458 = arith.index_cast %get3A_457 : i32 to index
        %get3A_459 = arith.index_cast %scan3A_428 : i32 to index
        %get3A_460 = arith.constant 64 : index
        %get3A_461 = tpu.vector_load %arg7[%get3A_458, %get3A_459, %get3A_460] {strides = array<i32>} : memref<2x200x128xf32, #tpu.memory_space<vmem>>, vector<1x1x16xf32>,
        %get3A_462 = vector.shape_cast %get3A_461 : vector<1x1x16xf32> to vector<16xf32>
        %add3A_463 = arith.addf %add3A_405, %get3A_462 : vector<16xf32>
        %get3A_464 = arith.constant 0 : i32
        %get3A_465 = arith.index_cast %get3A_464 : i32 to index
        %get3A_466 = arith.index_cast %scan3A_428 : i32 to index
        %get3A_467 = arith.constant 80 : index
        %get3A_468 = tpu.vector_load %arg7[%get3A_465, %get3A_466, %get3A_467] {strides = array<i32>} : memref<2x200x128xf32, #tpu.memory_space<vmem>>, vector<1x1x16xf32>,
        %get3A_469 = vector.shape_cast %get3A_468 : vector<1x1x16xf32> to vector<16xf32>
        %add3A_470 = arith.addf %add3A_412, %get3A_469 : vector<16xf32>
        %get3A_471 = arith.constant 0 : i32
        %get3A_472 = arith.index_cast %get3A_471 : i32 to index
        %get3A_473 = arith.index_cast %scan3A_428 : i32 to index
        %get3A_474 = arith.constant 96 : index
        %get3A_475 = tpu.vector_load %arg7[%get3A_472, %get3A_473, %get3A_474] {strides = array<i32>} : memref<2x200x128xf32, #tpu.memory_space<vmem>>, vector<1x1x16xf32>,
        %get3A_476 = vector.shape_cast %get3A_475 : vector<1x1x16xf32> to vector<16xf32>
        %add3A_477 = arith.addf %add3A_419, %get3A_476 : vector<16xf32>
        %get3A_478 = arith.constant 0 : i32
        %get3A_479 = arith.index_cast %get3A_478 : i32 to index
        %get3A_480 = arith.index_cast %scan3A_428 : i32 to index
        %get3A_481 = arith.constant 112 : index
        %get3A_482 = tpu.vector_load %arg7[%get3A_479, %get3A_480, %get3A_481] {strides = array<i32>} : memref<2x200x128xf32, #tpu.memory_space<vmem>>, vector<1x1x16xf32>,
        %get3A_483 = vector.shape_cast %get3A_482 : vector<1x1x16xf32> to vector<16xf32>
        %add3A_484 = arith.addf %add3A_426, %get3A_483 : vector<16xf32>
        scf.yield %add3A_435, %add3A_442, %add3A_449, %add3A_456, %add3A_463, %add3A_470, %add3A_477, %add3A_484 : vector<16xf32>, vector<16xf32>, vector<16xf32>, vector<16xf32>, vector<16xf32>, vector<16xf32>, vector<16xf32>, vector<16xf32>
      }
      %scan3A_97 = arith.constant 200 : i32
      %swap3A = arith.index_cast %add3A_35 : i32 to index
      %swap3A_98 = arith.constant 0 : index
      %swap3A_99 = tpu.vector_load %arg8[%swap3A, %swap3A_98] {strides = array<i32>} : memref<128x128xf32, #tpu.memory_space<vmem>>, vector<1x16xf32>,
      %swap3A_100 = vector.shape_cast %swap3A_99 : vector<1x16xf32> to vector<16xf32>
      %swap3A_101 = vector.shape_cast %scan3A_96#0 : vector<16xf32> to vector<1x16xf32>
      tpu.vector_store %arg8[%swap3A, %swap3A_98], %swap3A_101 {strides = array<i32>} : memref<128x128xf32, #tpu.memory_space<vmem>>, vector<1x16xf32>,
      %swap3A_102 = arith.index_cast %add3A_35 : i32 to index
      %swap3A_103 = arith.constant 16 : index
      %swap3A_104 = tpu.vector_load %arg8[%swap3A_102, %swap3A_103] {strides = array<i32>} : memref<128x128xf32, #tpu.memory_space<vmem>>, vector<1x16xf32>,
      %swap3A_105 = vector.shape_cast %swap3A_104 : vector<1x16xf32> to vector<16xf32>
      %swap3A_106 = vector.shape_cast %scan3A_96#1 : vector<16xf32> to vector<1x16xf32>
      tpu.vector_store %arg8[%swap3A_102, %swap3A_103], %swap3A_106 {strides = array<i32>} : memref<128x128xf32, #tpu.memory_space<vmem>>, vector<1x16xf32>,
      %swap3A_107 = arith.index_cast %add3A_35 : i32 to index
      %swap3A_108 = arith.constant 32 : index
      %swap3A_109 = tpu.vector_load %arg8[%swap3A_107, %swap3A_108] {strides = array<i32>} : memref<128x128xf32, #tpu.memory_space<vmem>>, vector<1x16xf32>,
      %swap3A_110 = vector.shape_cast %swap3A_109 : vector<1x16xf32> to vector<16xf32>
      %swap3A_111 = vector.shape_cast %scan3A_96#2 : vector<16xf32> to vector<1x16xf32>
      tpu.vector_store %arg8[%swap3A_107, %swap3A_108], %swap3A_111 {strides = array<i32>} : memref<128x128xf32, #tpu.memory_space<vmem>>, vector<1x16xf32>,
      %swap3A_112 = arith.index_cast %add3A_35 : i32 to index
      %swap3A_113 = arith.constant 48 : index
      %swap3A_114 = tpu.vector_load %arg8[%swap3A_112, %swap3A_113] {strides = array<i32>} : memref<128x128xf32, #tpu.memory_space<vmem>>, vector<1x16xf32>,
      %swap3A_115 = vector.shape_cast %swap3A_114 : vector<1x16xf32> to vector<16xf32>
      %swap3A_116 = vector.shape_cast %scan3A_96#3 : vector<16xf32> to vector<1x16xf32>
      tpu.vector_store %arg8[%swap3A_112, %swap3A_113], %swap3A_116 {strides = array<i32>} : memref<128x128xf32, #tpu.memory_space<vmem>>, vector<1x16xf32>,
      %swap3A_117 = arith.index_cast %add3A_35 : i32 to index
      %swap3A_118 = arith.constant 64 : index
      %swap3A_119 = tpu.vector_load %arg8[%swap3A_117, %swap3A_118] {strides = array<i32>} : memref<128x128xf32, #tpu.memory_space<vmem>>, vector<1x16xf32>,
      %swap3A_120 = vector.shape_cast %swap3A_119 : vector<1x16xf32> to vector<16xf32>
      %swap3A_121 = vector.shape_cast %scan3A_96#4 : vector<16xf32> to vector<1x16xf32>
      tpu.vector_store %arg8[%swap3A_117, %swap3A_118], %swap3A_121 {strides = array<i32>} : memref<128x128xf32, #tpu.memory_space<vmem>>, vector<1x16xf32>,
      %swap3A_122 = arith.index_cast %add3A_35 : i32 to index
      %swap3A_123 = arith.constant 80 : index
      %swap3A_124 = tpu.vector_load %arg8[%swap3A_122, %swap3A_123] {strides = array<i32>} : memref<128x128xf32, #tpu.memory_space<vmem>>, vector<1x16xf32>,
      %swap3A_125 = vector.shape_cast %swap3A_124 : vector<1x16xf32> to vector<16xf32>
      %swap3A_126 = vector.shape_cast %scan3A_96#5 : vector<16xf32> to vector<1x16xf32>
      tpu.vector_store %arg8[%swap3A_122, %swap3A_123], %swap3A_126 {strides = array<i32>} : memref<128x128xf32, #tpu.memory_space<vmem>>, vector<1x16xf32>,
      %swap3A_127 = arith.index_cast %add3A_35 : i32 to index
      %swap3A_128 = arith.constant 96 : index
      %swap3A_129 = tpu.vector_load %arg8[%swap3A_127, %swap3A_128] {strides = array<i32>} : memref<128x128xf32, #tpu.memory_space<vmem>>, vector<1x16xf32>,
      %swap3A_130 = vector.shape_cast %swap3A_129 : vector<1x16xf32> to vector<16xf32>
      %swap3A_131 = vector.shape_cast %scan3A_96#6 : vector<16xf32> to vector<1x16xf32>
      tpu.vector_store %arg8[%swap3A_127, %swap3A_128], %swap3A_131 {strides = array<i32>} : memref<128x128xf32, #tpu.memory_space<vmem>>, vector<1x16xf32>,
      %swap3A_132 = arith.index_cast %add3A_35 : i32 to index
      %swap3A_133 = arith.constant 112 : index
      %swap3A_134 = tpu.vector_load %arg8[%swap3A_132, %swap3A_133] {strides = array<i32>} : memref<128x128xf32, #tpu.memory_space<vmem>>, vector<1x16xf32>,
      %swap3A_135 = vector.shape_cast %swap3A_134 : vector<1x16xf32> to vector<16xf32>
      %swap3A_136 = vector.shape_cast %scan3A_96#7 : vector<16xf32> to vector<1x16xf32>
      tpu.vector_store %arg8[%swap3A_132, %swap3A_133], %swap3A_136 {strides = array<i32>} : memref<128x128xf32, #tpu.memory_space<vmem>>, vector<1x16xf32>,
      %add3A_137 = arith.constant 1 : i32
      %add3A_138 = arith.addi %mul3A_33, %add3A_137 : i32
      %add3A_139 = arith.constant 1 : i32
      %add3A_140 = arith.addi %add3A_138, %add3A_139 : i32
      %lt3A_141 = arith.constant 128 : i32
      %lt3A_142 = arith.cmpi slt, %add3A_140, %lt3A_141 : i32
      %convert_element_type3A_143 = arith.extui %lt3A_142 : i1 to i32
      %cond3A_144 = arith.constant 0 : i32
      %cond3A_145 = arith.cmpi ne, %convert_element_type3A_143, %cond3A_144 : i32
      scf.if %cond3A_145 {
        %add3A_246 = arith.constant 1 : i32
        %add3A_247 = arith.addi %add3A_138, %add3A_246 : i32
        %dma_start3A_248 = arith.constant 0 : i32
        %dma_start3A_249 = arith.constant 0 : i32
        %dma_start3A_250 = arith.constant 0 : i32
        %dma_start3A_251 = tpu.memref_slice %arg7[%dma_start3A_248, %dma_start3A_249, %dma_start3A_250] : memref<2x200x128xf32, #tpu.memory_space<vmem>> -> memref<1x128x128xf32, #tpu.memory_space<vmem>>
        %dma_start3A_252 = tpu.memref_squeeze %dma_start3A_251 : memref<1x128x128xf32, #tpu.memory_space<vmem>> -> memref<128x128xf32, #tpu.memory_space<vmem>>
        %dma_start3A_253 = arith.constant 0 : i32
        %dma_start3A_254 = tpu.memref_slice %arg6[%add3A_247, %dma_start3A_253] : memref<128x200xi32, #tpu.memory_space<vmem>> -> memref<1x128xi32, #tpu.memory_space<vmem>>
        %dma_start3A_255 = tpu.memref_squeeze %dma_start3A_254 : memref<1x128xi32, #tpu.memory_space<vmem>> -> memref<128xi32, #tpu.memory_space<vmem>>
        %dma_start3A_256 = arith.constant 0 : i32
        %dma_start3A_257 = arith.constant 0 : i32
        %dma_start3A_258 = tpu.memref_slice %arg3[%dma_start3A_256, %dma_start3A_257] : memref<100000x128xf32, #tpu.memory_space<hbm>> -> memref<100000x128xf32, #tpu.memory_space<hbm>>
        tpu.enqueue_indirect_dma source(%dma_start3A_258 : memref<100000x128xf32, #tpu.memory_space<hbm>>) target(%dma_start3A_252 : memref<128x128xf32, #tpu.memory_space<vmem>>) offsets(%dma_start3A_255 : memref<128xi32, #tpu.memory_space<vmem>>) semaphore(%arg10 : memref<!tpu.dma_semaphore, #tpu.memory_space<semaphore_mem>>)
        %dma_start3A_259 = arith.constant 0 : i32
        %dma_start3A_260 = arith.constant 128 : i32
        %dma_start3A_261 = arith.constant 0 : i32
        %dma_start3A_262 = tpu.memref_slice %arg7[%dma_start3A_259, %dma_start3A_260, %dma_start3A_261] : memref<2x200x128xf32, #tpu.memory_space<vmem>> -> memref<1x72x128xf32, #tpu.memory_space<vmem>>
        %dma_start3A_263 = tpu.memref_squeeze %dma_start3A_262 : memref<1x72x128xf32, #tpu.memory_space<vmem>> -> memref<72x128xf32, #tpu.memory_space<vmem>>
        %dma_start3A_264 = arith.constant 128 : i32
        %dma_start3A_265 = tpu.memref_slice %arg6[%add3A_247, %dma_start3A_264] : memref<128x200xi32, #tpu.memory_space<vmem>> -> memref<1x72xi32, #tpu.memory_space<vmem>>
        %dma_start3A_266 = tpu.memref_squeeze %dma_start3A_265 : memref<1x72xi32, #tpu.memory_space<vmem>> -> memref<72xi32, #tpu.memory_space<vmem>>
        %dma_start3A_267 = arith.constant 0 : i32
        %dma_start3A_268 = arith.constant 0 : i32
        %dma_start3A_269 = tpu.memref_slice %arg3[%dma_start3A_267, %dma_start3A_268] : memref<100000x128xf32, #tpu.memory_space<hbm>> -> memref<100000x128xf32, #tpu.memory_space<hbm>>
        tpu.enqueue_indirect_dma source(%dma_start3A_269 : memref<100000x128xf32, #tpu.memory_space<hbm>>) target(%dma_start3A_263 : memref<72x128xf32, #tpu.memory_space<vmem>>) offsets(%dma_start3A_266 : memref<72xi32, #tpu.memory_space<vmem>>) semaphore(%arg10 : memref<!tpu.dma_semaphore, #tpu.memory_space<semaphore_mem>>)
      } else {
      }
      %dma_wait3A_146 = arith.constant 1 : i32
      %dma_wait3A_147 = arith.constant 0 : i32
      %dma_wait3A_148 = arith.constant 0 : i32
      %dma_wait3A_149 = tpu.memref_slice %arg7[%dma_wait3A_146, %dma_wait3A_147, %dma_wait3A_148] : memref<2x200x128xf32, #tpu.memory_space<vmem>> -> memref<1x128x128xf32, #tpu.memory_space<vmem>>
      %dma_wait3A_150 = tpu.memref_squeeze %dma_wait3A_149 : memref<1x128x128xf32, #tpu.memory_space<vmem>> -> memref<128x128xf32, #tpu.memory_space<vmem>>
      %dma_wait3A_151 = arith.constant 0 : i32
      %dma_wait3A_152 = arith.constant 0 : i32
      %dma_wait3A_153 = tpu.memref_slice %arg3[%dma_wait3A_151, %dma_wait3A_152] : memref<100000x128xf32, #tpu.memory_space<hbm>> -> memref<128x128xf32, #tpu.memory_space<hbm>>
      %dma_wait3A_154 = arith.constant 0 : i32
      %dma_wait3A_155 = arith.constant 0 : i32
      %dma_wait3A_156 = tpu.memref_slice %arg7[%dma_wait3A_146, %dma_wait3A_154, %dma_wait3A_155] : memref<2x200x128xf32, #tpu.memory_space<vmem>> -> memref<1x128x128xf32, #tpu.memory_space<vmem>>
      %dma_wait3A_157 = tpu.memref_squeeze %dma_wait3A_156 : memref<1x128x128xf32, #tpu.memory_space<vmem>> -> memref<128x128xf32, #tpu.memory_space<vmem>>
      %dma_wait3A_158 = arith.constant 0 : i32
      %dma_wait3A_159 = arith.constant 0 : i32
      %dma_wait3A_160 = tpu.memref_slice %arg3[%dma_wait3A_158, %dma_wait3A_159] : memref<100000x128xf32, #tpu.memory_space<hbm>> -> memref<128x128xf32, #tpu.memory_space<hbm>>
      tpu.wait_dma2 semaphore(%arg11 : memref<!tpu.dma_semaphore, #tpu.memory_space<semaphore_mem>>) src(%dma_wait3A_160 : memref<128x128xf32, #tpu.memory_space<hbm>>) dst(%dma_wait3A_157 : memref<128x128xf32, #tpu.memory_space<vmem>>)
      %dma_wait3A_161 = arith.constant 1 : i32
      %dma_wait3A_162 = arith.constant 128 : i32
      %dma_wait3A_163 = arith.constant 0 : i32
      %dma_wait3A_164 = tpu.memref_slice %arg7[%dma_wait3A_161, %dma_wait3A_162, %dma_wait3A_163] : memref<2x200x128xf32, #tpu.memory_space<vmem>> -> memref<1x72x128xf32, #tpu.memory_space<vmem>>
      %dma_wait3A_165 = tpu.memref_squeeze %dma_wait3A_164 : memref<1x72x128xf32, #tpu.memory_space<vmem>> -> memref<72x128xf32, #tpu.memory_space<vmem>>
      %dma_wait3A_166 = arith.constant 0 : i32
      %dma_wait3A_167 = arith.constant 0 : i32
      %dma_wait3A_168 = tpu.memref_slice %arg3[%dma_wait3A_166, %dma_wait3A_167] : memref<100000x128xf32, #tpu.memory_space<hbm>> -> memref<72x128xf32, #tpu.memory_space<hbm>>
      %dma_wait3A_169 = arith.constant 128 : i32
      %dma_wait3A_170 = arith.constant 0 : i32
      %dma_wait3A_171 = tpu.memref_slice %arg7[%dma_wait3A_161, %dma_wait3A_169, %dma_wait3A_170] : memref<2x200x128xf32, #tpu.memory_space<vmem>> -> memref<1x72x128xf32, #tpu.memory_space<vmem>>
      %dma_wait3A_172 = tpu.memref_squeeze %dma_wait3A_171 : memref<1x72x128xf32, #tpu.memory_space<vmem>> -> memref<72x128xf32, #tpu.memory_space<vmem>>
      %dma_wait3A_173 = arith.constant 0 : i32
      %dma_wait3A_174 = arith.constant 0 : i32
      %dma_wait3A_175 = tpu.memref_slice %arg3[%dma_wait3A_173, %dma_wait3A_174] : memref<100000x128xf32, #tpu.memory_space<hbm>> -> memref<72x128xf32, #tpu.memory_space<hbm>>
      tpu.wait_dma2 semaphore(%arg11 : memref<!tpu.dma_semaphore, #tpu.memory_space<semaphore_mem>>) src(%dma_wait3A_175 : memref<72x128xf32, #tpu.memory_space<hbm>>) dst(%dma_wait3A_172 : memref<72x128xf32, #tpu.memory_space<vmem>>)
      %get3A_176 = arith.constant 0 : index
      %get3A_177 = tpu.vector_load %arg9[%get3A_176] {strides = array<i32>} : memref<128xf32, #tpu.memory_space<vmem>>, vector<16xf32>,
      %get3A_178 = vector.shape_cast %get3A_177 : vector<16xf32> to vector<16xf32>
      %get3A_179 = arith.constant 16 : index
      %get3A_180 = tpu.vector_load %arg9[%get3A_179] {strides = array<i32>} : memref<128xf32, #tpu.memory_space<vmem>>, vector<16xf32>,
      %get3A_181 = vector.shape_cast %get3A_180 : vector<16xf32> to vector<16xf32>
      %get3A_182 = arith.constant 32 : index
      %get3A_183 = tpu.vector_load %arg9[%get3A_182] {strides = array<i32>} : memref<128xf32, #tpu.memory_space<vmem>>, vector<16xf32>,
      %get3A_184 = vector.shape_cast %get3A_183 : vector<16xf32> to vector<16xf32>
      %get3A_185 = arith.constant 48 : index
      %get3A_186 = tpu.vector_load %arg9[%get3A_185] {strides = array<i32>} : memref<128xf32, #tpu.memory_space<vmem>>, vector<16xf32>,
      %get3A_187 = vector.shape_cast %get3A_186 : vector<16xf32> to vector<16xf32>
      %get3A_188 = arith.constant 64 : index
      %get3A_189 = tpu.vector_load %arg9[%get3A_188] {strides = array<i32>} : memref<128xf32, #tpu.memory_space<vmem>>, vector<16xf32>,
      %get3A_190 = vector.shape_cast %get3A_189 : vector<16xf32> to vector<16xf32>
      %get3A_191 = arith.constant 80 : index
      %get3A_192 = tpu.vector_load %arg9[%get3A_191] {strides = array<i32>} : memref<128xf32, #tpu.memory_space<vmem>>, vector<16xf32>,
      %get3A_193 = vector.shape_cast %get3A_192 : vector<16xf32> to vector<16xf32>
      %get3A_194 = arith.constant 96 : index
      %get3A_195 = tpu.vector_load %arg9[%get3A_194] {strides = array<i32>} : memref<128xf32, #tpu.memory_space<vmem>>, vector<16xf32>,
      %get3A_196 = vector.shape_cast %get3A_195 : vector<16xf32> to vector<16xf32>
      %get3A_197 = arith.constant 112 : index
      %get3A_198 = tpu.vector_load %arg9[%get3A_197] {strides = array<i32>} : memref<128xf32, #tpu.memory_space<vmem>>, vector<16xf32>,
      %get3A_199 = vector.shape_cast %get3A_198 : vector<16xf32> to vector<16xf32>
      %scan3A_200 = arith.constant 0 : i32
      %scan3A_201 = arith.constant 200 : i32
      %scan3A_202 = arith.addi %scan3A_200, %scan3A_201 : i32
      %scan3A_203 = arith.constant 4 : i32
      %scan3A_204:8 = scf.for %scan3A_246 = %scan3A_200 to %scan3A_202 step %scan3A_203 iter_args(%scan3A_247 = %get3A_178, %scan3A_248 = %get3A_181, %scan3A_249 = %get3A_184, %scan3A_250 = %get3A_187, %scan3A_251 = %get3A_190, %scan3A_252 = %get3A_193, %scan3A_253 = %get3A_196, %scan3A_254 = %get3A_199) -> (vector<16xf32>, vector<16xf32>, vector<16xf32>, vector<16xf32>, vector<16xf32>, vector<16xf32>, vector<16xf32>, vector<16xf32>)  : i32 {
        %get3A_255 = arith.constant 1 : i32
        %get3A_256 = arith.index_cast %get3A_255 : i32 to index
        %get3A_257 = arith.index_cast %scan3A_246 : i32 to index
        %get3A_258 = arith.constant 0 : index
        %get3A_259 = tpu.vector_load %arg7[%get3A_256, %get3A_257, %get3A_258] {strides = array<i32>} : memref<2x200x128xf32, #tpu.memory_space<vmem>>, vector<1x1x16xf32>,
        %get3A_260 = vector.shape_cast %get3A_259 : vector<1x1x16xf32> to vector<16xf32>
        %add3A_261 = arith.addf %scan3A_247, %get3A_260 : vector<16xf32>
        %get3A_262 = arith.constant 1 : i32
        %get3A_263 = arith.index_cast %get3A_262 : i32 to index
        %get3A_264 = arith.index_cast %scan3A_246 : i32 to index
        %get3A_265 = arith.constant 16 : index
        %get3A_266 = tpu.vector_load %arg7[%get3A_263, %get3A_264, %get3A_265] {strides = array<i32>} : memref<2x200x128xf32, #tpu.memory_space<vmem>>, vector<1x1x16xf32>,
        %get3A_267 = vector.shape_cast %get3A_266 : vector<1x1x16xf32> to vector<16xf32>
        %add3A_268 = arith.addf %scan3A_248, %get3A_267 : vector<16xf32>
        %get3A_269 = arith.constant 1 : i32
        %get3A_270 = arith.index_cast %get3A_269 : i32 to index
        %get3A_271 = arith.index_cast %scan3A_246 : i32 to index
        %get3A_272 = arith.constant 32 : index
        %get3A_273 = tpu.vector_load %arg7[%get3A_270, %get3A_271, %get3A_272] {strides = array<i32>} : memref<2x200x128xf32, #tpu.memory_space<vmem>>, vector<1x1x16xf32>,
        %get3A_274 = vector.shape_cast %get3A_273 : vector<1x1x16xf32> to vector<16xf32>
        %add3A_275 = arith.addf %scan3A_249, %get3A_274 : vector<16xf32>
        %get3A_276 = arith.constant 1 : i32
        %get3A_277 = arith.index_cast %get3A_276 : i32 to index
        %get3A_278 = arith.index_cast %scan3A_246 : i32 to index
        %get3A_279 = arith.constant 48 : index
        %get3A_280 = tpu.vector_load %arg7[%get3A_277, %get3A_278, %get3A_279] {strides = array<i32>} : memref<2x200x128xf32, #tpu.memory_space<vmem>>, vector<1x1x16xf32>,
        %get3A_281 = vector.shape_cast %get3A_280 : vector<1x1x16xf32> to vector<16xf32>
        %add3A_282 = arith.addf %scan3A_250, %get3A_281 : vector<16xf32>
        %get3A_283 = arith.constant 1 : i32
        %get3A_284 = arith.index_cast %get3A_283 : i32 to index
        %get3A_285 = arith.index_cast %scan3A_246 : i32 to index
        %get3A_286 = arith.constant 64 : index
        %get3A_287 = tpu.vector_load %arg7[%get3A_284, %get3A_285, %get3A_286] {strides = array<i32>} : memref<2x200x128xf32, #tpu.memory_space<vmem>>, vector<1x1x16xf32>,
        %get3A_288 = vector.shape_cast %get3A_287 : vector<1x1x16xf32> to vector<16xf32>
        %add3A_289 = arith.addf %scan3A_251, %get3A_288 : vector<16xf32>
        %get3A_290 = arith.constant 1 : i32
        %get3A_291 = arith.index_cast %get3A_290 : i32 to index
        %get3A_292 = arith.index_cast %scan3A_246 : i32 to index
        %get3A_293 = arith.constant 80 : index
        %get3A_294 = tpu.vector_load %arg7[%get3A_291, %get3A_292, %get3A_293] {strides = array<i32>} : memref<2x200x128xf32, #tpu.memory_space<vmem>>, vector<1x1x16xf32>,
        %get3A_295 = vector.shape_cast %get3A_294 : vector<1x1x16xf32> to vector<16xf32>
        %add3A_296 = arith.addf %scan3A_252, %get3A_295 : vector<16xf32>
        %get3A_297 = arith.constant 1 : i32
        %get3A_298 = arith.index_cast %get3A_297 : i32 to index
        %get3A_299 = arith.index_cast %scan3A_246 : i32 to index
        %get3A_300 = arith.constant 96 : index
        %get3A_301 = tpu.vector_load %arg7[%get3A_298, %get3A_299, %get3A_300] {strides = array<i32>} : memref<2x200x128xf32, #tpu.memory_space<vmem>>, vector<1x1x16xf32>,
        %get3A_302 = vector.shape_cast %get3A_301 : vector<1x1x16xf32> to vector<16xf32>
        %add3A_303 = arith.addf %scan3A_253, %get3A_302 : vector<16xf32>
        %get3A_304 = arith.constant 1 : i32
        %get3A_305 = arith.index_cast %get3A_304 : i32 to index
        %get3A_306 = arith.index_cast %scan3A_246 : i32 to index
        %get3A_307 = arith.constant 112 : index
        %get3A_308 = tpu.vector_load %arg7[%get3A_305, %get3A_306, %get3A_307] {strides = array<i32>} : memref<2x200x128xf32, #tpu.memory_space<vmem>>, vector<1x1x16xf32>,
        %get3A_309 = vector.shape_cast %get3A_308 : vector<1x1x16xf32> to vector<16xf32>
        %add3A_310 = arith.addf %scan3A_254, %get3A_309 : vector<16xf32>
        %scan3A_311 = arith.constant 1 : i32
        %scan3A_312 = arith.addi %scan3A_246, %scan3A_311 : i32
        %get3A_313 = arith.constant 1 : i32
        %get3A_314 = arith.index_cast %get3A_313 : i32 to index
        %get3A_315 = arith.index_cast %scan3A_312 : i32 to index
        %get3A_316 = arith.constant 0 : index
        %get3A_317 = tpu.vector_load %arg7[%get3A_314, %get3A_315, %get3A_316] {strides = array<i32>} : memref<2x200x128xf32, #tpu.memory_space<vmem>>, vector<1x1x16xf32>,
        %get3A_318 = vector.shape_cast %get3A_317 : vector<1x1x16xf32> to vector<16xf32>
        %add3A_319 = arith.addf %add3A_261, %get3A_318 : vector<16xf32>
        %get3A_320 = arith.constant 1 : i32
        %get3A_321 = arith.index_cast %get3A_320 : i32 to index
        %get3A_322 = arith.index_cast %scan3A_312 : i32 to index
        %get3A_323 = arith.constant 16 : index
        %get3A_324 = tpu.vector_load %arg7[%get3A_321, %get3A_322, %get3A_323] {strides = array<i32>} : memref<2x200x128xf32, #tpu.memory_space<vmem>>, vector<1x1x16xf32>,
        %get3A_325 = vector.shape_cast %get3A_324 : vector<1x1x16xf32> to vector<16xf32>
        %add3A_326 = arith.addf %add3A_268, %get3A_325 : vector<16xf32>
        %get3A_327 = arith.constant 1 : i32
        %get3A_328 = arith.index_cast %get3A_327 : i32 to index
        %get3A_329 = arith.index_cast %scan3A_312 : i32 to index
        %get3A_330 = arith.constant 32 : index
        %get3A_331 = tpu.vector_load %arg7[%get3A_328, %get3A_329, %get3A_330] {strides = array<i32>} : memref<2x200x128xf32, #tpu.memory_space<vmem>>, vector<1x1x16xf32>,
        %get3A_332 = vector.shape_cast %get3A_331 : vector<1x1x16xf32> to vector<16xf32>
        %add3A_333 = arith.addf %add3A_275, %get3A_332 : vector<16xf32>
        %get3A_334 = arith.constant 1 : i32
        %get3A_335 = arith.index_cast %get3A_334 : i32 to index
        %get3A_336 = arith.index_cast %scan3A_312 : i32 to index
        %get3A_337 = arith.constant 48 : index
        %get3A_338 = tpu.vector_load %arg7[%get3A_335, %get3A_336, %get3A_337] {strides = array<i32>} : memref<2x200x128xf32, #tpu.memory_space<vmem>>, vector<1x1x16xf32>,
        %get3A_339 = vector.shape_cast %get3A_338 : vector<1x1x16xf32> to vector<16xf32>
        %add3A_340 = arith.addf %add3A_282, %get3A_339 : vector<16xf32>
        %get3A_341 = arith.constant 1 : i32
        %get3A_342 = arith.index_cast %get3A_341 : i32 to index
        %get3A_343 = arith.index_cast %scan3A_312 : i32 to index
        %get3A_344 = arith.constant 64 : index
        %get3A_345 = tpu.vector_load %arg7[%get3A_342, %get3A_343, %get3A_344] {strides = array<i32>} : memref<2x200x128xf32, #tpu.memory_space<vmem>>, vector<1x1x16xf32>,
        %get3A_346 = vector.shape_cast %get3A_345 : vector<1x1x16xf32> to vector<16xf32>
        %add3A_347 = arith.addf %add3A_289, %get3A_346 : vector<16xf32>
        %get3A_348 = arith.constant 1 : i32
        %get3A_349 = arith.index_cast %get3A_348 : i32 to index
        %get3A_350 = arith.index_cast %scan3A_312 : i32 to index
        %get3A_351 = arith.constant 80 : index
        %get3A_352 = tpu.vector_load %arg7[%get3A_349, %get3A_350, %get3A_351] {strides = array<i32>} : memref<2x200x128xf32, #tpu.memory_space<vmem>>, vector<1x1x16xf32>,
        %get3A_353 = vector.shape_cast %get3A_352 : vector<1x1x16xf32> to vector<16xf32>
        %add3A_354 = arith.addf %add3A_296, %get3A_353 : vector<16xf32>
        %get3A_355 = arith.constant 1 : i32
        %get3A_356 = arith.index_cast %get3A_355 : i32 to index
        %get3A_357 = arith.index_cast %scan3A_312 : i32 to index
        %get3A_358 = arith.constant 96 : index
        %get3A_359 = tpu.vector_load %arg7[%get3A_356, %get3A_357, %get3A_358] {strides = array<i32>} : memref<2x200x128xf32, #tpu.memory_space<vmem>>, vector<1x1x16xf32>,
        %get3A_360 = vector.shape_cast %get3A_359 : vector<1x1x16xf32> to vector<16xf32>
        %add3A_361 = arith.addf %add3A_303, %get3A_360 : vector<16xf32>
        %get3A_362 = arith.constant 1 : i32
        %get3A_363 = arith.index_cast %get3A_362 : i32 to index
        %get3A_364 = arith.index_cast %scan3A_312 : i32 to index
        %get3A_365 = arith.constant 112 : index
        %get3A_366 = tpu.vector_load %arg7[%get3A_363, %get3A_364, %get3A_365] {strides = array<i32>} : memref<2x200x128xf32, #tpu.memory_space<vmem>>, vector<1x1x16xf32>,
        %get3A_367 = vector.shape_cast %get3A_366 : vector<1x1x16xf32> to vector<16xf32>
        %add3A_368 = arith.addf %add3A_310, %get3A_367 : vector<16xf32>
        %scan3A_369 = arith.constant 2 : i32
        %scan3A_370 = arith.addi %scan3A_246, %scan3A_369 : i32
        %get3A_371 = arith.constant 1 : i32
        %get3A_372 = arith.index_cast %get3A_371 : i32 to index
        %get3A_373 = arith.index_cast %scan3A_370 : i32 to index
        %get3A_374 = arith.constant 0 : index
        %get3A_375 = tpu.vector_load %arg7[%get3A_372, %get3A_373, %get3A_374] {strides = array<i32>} : memref<2x200x128xf32, #tpu.memory_space<vmem>>, vector<1x1x16xf32>,
        %get3A_376 = vector.shape_cast %get3A_375 : vector<1x1x16xf32> to vector<16xf32>
        %add3A_377 = arith.addf %add3A_319, %get3A_376 : vector<16xf32>
        %get3A_378 = arith.constant 1 : i32
        %get3A_379 = arith.index_cast %get3A_378 : i32 to index
        %get3A_380 = arith.index_cast %scan3A_370 : i32 to index
        %get3A_381 = arith.constant 16 : index
        %get3A_382 = tpu.vector_load %arg7[%get3A_379, %get3A_380, %get3A_381] {strides = array<i32>} : memref<2x200x128xf32, #tpu.memory_space<vmem>>, vector<1x1x16xf32>,
        %get3A_383 = vector.shape_cast %get3A_382 : vector<1x1x16xf32> to vector<16xf32>
        %add3A_384 = arith.addf %add3A_326, %get3A_383 : vector<16xf32>
        %get3A_385 = arith.constant 1 : i32
        %get3A_386 = arith.index_cast %get3A_385 : i32 to index
        %get3A_387 = arith.index_cast %scan3A_370 : i32 to index
        %get3A_388 = arith.constant 32 : index
        %get3A_389 = tpu.vector_load %arg7[%get3A_386, %get3A_387, %get3A_388] {strides = array<i32>} : memref<2x200x128xf32, #tpu.memory_space<vmem>>, vector<1x1x16xf32>,
        %get3A_390 = vector.shape_cast %get3A_389 : vector<1x1x16xf32> to vector<16xf32>
        %add3A_391 = arith.addf %add3A_333, %get3A_390 : vector<16xf32>
        %get3A_392 = arith.constant 1 : i32
        %get3A_393 = arith.index_cast %get3A_392 : i32 to index
        %get3A_394 = arith.index_cast %scan3A_370 : i32 to index
        %get3A_395 = arith.constant 48 : index
        %get3A_396 = tpu.vector_load %arg7[%get3A_393, %get3A_394, %get3A_395] {strides = array<i32>} : memref<2x200x128xf32, #tpu.memory_space<vmem>>, vector<1x1x16xf32>,
        %get3A_397 = vector.shape_cast %get3A_396 : vector<1x1x16xf32> to vector<16xf32>
        %add3A_398 = arith.addf %add3A_340, %get3A_397 : vector<16xf32>
        %get3A_399 = arith.constant 1 : i32
        %get3A_400 = arith.index_cast %get3A_399 : i32 to index
        %get3A_401 = arith.index_cast %scan3A_370 : i32 to index
        %get3A_402 = arith.constant 64 : index
        %get3A_403 = tpu.vector_load %arg7[%get3A_400, %get3A_401, %get3A_402] {strides = array<i32>} : memref<2x200x128xf32, #tpu.memory_space<vmem>>, vector<1x1x16xf32>,
        %get3A_404 = vector.shape_cast %get3A_403 : vector<1x1x16xf32> to vector<16xf32>
        %add3A_405 = arith.addf %add3A_347, %get3A_404 : vector<16xf32>
        %get3A_406 = arith.constant 1 : i32
        %get3A_407 = arith.index_cast %get3A_406 : i32 to index
        %get3A_408 = arith.index_cast %scan3A_370 : i32 to index
        %get3A_409 = arith.constant 80 : index
        %get3A_410 = tpu.vector_load %arg7[%get3A_407, %get3A_408, %get3A_409] {strides = array<i32>} : memref<2x200x128xf32, #tpu.memory_space<vmem>>, vector<1x1x16xf32>,
        %get3A_411 = vector.shape_cast %get3A_410 : vector<1x1x16xf32> to vector<16xf32>
        %add3A_412 = arith.addf %add3A_354, %get3A_411 : vector<16xf32>
        %get3A_413 = arith.constant 1 : i32
        %get3A_414 = arith.index_cast %get3A_413 : i32 to index
        %get3A_415 = arith.index_cast %scan3A_370 : i32 to index
        %get3A_416 = arith.constant 96 : index
        %get3A_417 = tpu.vector_load %arg7[%get3A_414, %get3A_415, %get3A_416] {strides = array<i32>} : memref<2x200x128xf32, #tpu.memory_space<vmem>>, vector<1x1x16xf32>,
        %get3A_418 = vector.shape_cast %get3A_417 : vector<1x1x16xf32> to vector<16xf32>
        %add3A_419 = arith.addf %add3A_361, %get3A_418 : vector<16xf32>
        %get3A_420 = arith.constant 1 : i32
        %get3A_421 = arith.index_cast %get3A_420 : i32 to index
        %get3A_422 = arith.index_cast %scan3A_370 : i32 to index
        %get3A_423 = arith.constant 112 : index
        %get3A_424 = tpu.vector_load %arg7[%get3A_421, %get3A_422, %get3A_423] {strides = array<i32>} : memref<2x200x128xf32, #tpu.memory_space<vmem>>, vector<1x1x16xf32>,
        %get3A_425 = vector.shape_cast %get3A_424 : vector<1x1x16xf32> to vector<16xf32>
        %add3A_426 = arith.addf %add3A_368, %get3A_425 : vector<16xf32>
        %scan3A_427 = arith.constant 3 : i32
        %scan3A_428 = arith.addi %scan3A_246, %scan3A_427 : i32
        %get3A_429 = arith.constant 1 : i32
        %get3A_430 = arith.index_cast %get3A_429 : i32 to index
        %get3A_431 = arith.index_cast %scan3A_428 : i32 to index
        %get3A_432 = arith.constant 0 : index
        %get3A_433 = tpu.vector_load %arg7[%get3A_430, %get3A_431, %get3A_432] {strides = array<i32>} : memref<2x200x128xf32, #tpu.memory_space<vmem>>, vector<1x1x16xf32>,
        %get3A_434 = vector.shape_cast %get3A_433 : vector<1x1x16xf32> to vector<16xf32>
        %add3A_435 = arith.addf %add3A_377, %get3A_434 : vector<16xf32>
        %get3A_436 = arith.constant 1 : i32
        %get3A_437 = arith.index_cast %get3A_436 : i32 to index
        %get3A_438 = arith.index_cast %scan3A_428 : i32 to index
        %get3A_439 = arith.constant 16 : index
        %get3A_440 = tpu.vector_load %arg7[%get3A_437, %get3A_438, %get3A_439] {strides = array<i32>} : memref<2x200x128xf32, #tpu.memory_space<vmem>>, vector<1x1x16xf32>,
        %get3A_441 = vector.shape_cast %get3A_440 : vector<1x1x16xf32> to vector<16xf32>
        %add3A_442 = arith.addf %add3A_384, %get3A_441 : vector<16xf32>
        %get3A_443 = arith.constant 1 : i32
        %get3A_444 = arith.index_cast %get3A_443 : i32 to index
        %get3A_445 = arith.index_cast %scan3A_428 : i32 to index
        %get3A_446 = arith.constant 32 : index
        %get3A_447 = tpu.vector_load %arg7[%get3A_444, %get3A_445, %get3A_446] {strides = array<i32>} : memref<2x200x128xf32, #tpu.memory_space<vmem>>, vector<1x1x16xf32>,
        %get3A_448 = vector.shape_cast %get3A_447 : vector<1x1x16xf32> to vector<16xf32>
        %add3A_449 = arith.addf %add3A_391, %get3A_448 : vector<16xf32>
        %get3A_450 = arith.constant 1 : i32
        %get3A_451 = arith.index_cast %get3A_450 : i32 to index
        %get3A_452 = arith.index_cast %scan3A_428 : i32 to index
        %get3A_453 = arith.constant 48 : index
        %get3A_454 = tpu.vector_load %arg7[%get3A_451, %get3A_452, %get3A_453] {strides = array<i32>} : memref<2x200x128xf32, #tpu.memory_space<vmem>>, vector<1x1x16xf32>,
        %get3A_455 = vector.shape_cast %get3A_454 : vector<1x1x16xf32> to vector<16xf32>
        %add3A_456 = arith.addf %add3A_398, %get3A_455 : vector<16xf32>
        %get3A_457 = arith.constant 1 : i32
        %get3A_458 = arith.index_cast %get3A_457 : i32 to index
        %get3A_459 = arith.index_cast %scan3A_428 : i32 to index
        %get3A_460 = arith.constant 64 : index
        %get3A_461 = tpu.vector_load %arg7[%get3A_458, %get3A_459, %get3A_460] {strides = array<i32>} : memref<2x200x128xf32, #tpu.memory_space<vmem>>, vector<1x1x16xf32>,
        %get3A_462 = vector.shape_cast %get3A_461 : vector<1x1x16xf32> to vector<16xf32>
        %add3A_463 = arith.addf %add3A_405, %get3A_462 : vector<16xf32>
        %get3A_464 = arith.constant 1 : i32
        %get3A_465 = arith.index_cast %get3A_464 : i32 to index
        %get3A_466 = arith.index_cast %scan3A_428 : i32 to index
        %get3A_467 = arith.constant 80 : index
        %get3A_468 = tpu.vector_load %arg7[%get3A_465, %get3A_466, %get3A_467] {strides = array<i32>} : memref<2x200x128xf32, #tpu.memory_space<vmem>>, vector<1x1x16xf32>,
        %get3A_469 = vector.shape_cast %get3A_468 : vector<1x1x16xf32> to vector<16xf32>
        %add3A_470 = arith.addf %add3A_412, %get3A_469 : vector<16xf32>
        %get3A_471 = arith.constant 1 : i32
        %get3A_472 = arith.index_cast %get3A_471 : i32 to index
        %get3A_473 = arith.index_cast %scan3A_428 : i32 to index
        %get3A_474 = arith.constant 96 : index
        %get3A_475 = tpu.vector_load %arg7[%get3A_472, %get3A_473, %get3A_474] {strides = array<i32>} : memref<2x200x128xf32, #tpu.memory_space<vmem>>, vector<1x1x16xf32>,
        %get3A_476 = vector.shape_cast %get3A_475 : vector<1x1x16xf32> to vector<16xf32>
        %add3A_477 = arith.addf %add3A_419, %get3A_476 : vector<16xf32>
        %get3A_478 = arith.constant 1 : i32
        %get3A_479 = arith.index_cast %get3A_478 : i32 to index
        %get3A_480 = arith.index_cast %scan3A_428 : i32 to index
        %get3A_481 = arith.constant 112 : index
        %get3A_482 = tpu.vector_load %arg7[%get3A_479, %get3A_480, %get3A_481] {strides = array<i32>} : memref<2x200x128xf32, #tpu.memory_space<vmem>>, vector<1x1x16xf32>,
        %get3A_483 = vector.shape_cast %get3A_482 : vector<1x1x16xf32> to vector<16xf32>
        %add3A_484 = arith.addf %add3A_426, %get3A_483 : vector<16xf32>
        scf.yield %add3A_435, %add3A_442, %add3A_449, %add3A_456, %add3A_463, %add3A_470, %add3A_477, %add3A_484 : vector<16xf32>, vector<16xf32>, vector<16xf32>, vector<16xf32>, vector<16xf32>, vector<16xf32>, vector<16xf32>, vector<16xf32>
      }
      %scan3A_205 = arith.constant 200 : i32
      %swap3A_206 = arith.index_cast %add3A_138 : i32 to index
      %swap3A_207 = arith.constant 0 : index
      %swap3A_208 = tpu.vector_load %arg8[%swap3A_206, %swap3A_207] {strides = array<i32>} : memref<128x128xf32, #tpu.memory_space<vmem>>, vector<1x16xf32>,
      %swap3A_209 = vector.shape_cast %swap3A_208 : vector<1x16xf32> to vector<16xf32>
      %swap3A_210 = vector.shape_cast %scan3A_204#0 : vector<16xf32> to vector<1x16xf32>
      tpu.vector_store %arg8[%swap3A_206, %swap3A_207], %swap3A_210 {strides = array<i32>} : memref<128x128xf32, #tpu.memory_space<vmem>>, vector<1x16xf32>,
      %swap3A_211 = arith.index_cast %add3A_138 : i32 to index
      %swap3A_212 = arith.constant 16 : index
      %swap3A_213 = tpu.vector_load %arg8[%swap3A_211, %swap3A_212] {strides = array<i32>} : memref<128x128xf32, #tpu.memory_space<vmem>>, vector<1x16xf32>,
      %swap3A_214 = vector.shape_cast %swap3A_213 : vector<1x16xf32> to vector<16xf32>
      %swap3A_215 = vector.shape_cast %scan3A_204#1 : vector<16xf32> to vector<1x16xf32>
      tpu.vector_store %arg8[%swap3A_211, %swap3A_212], %swap3A_215 {strides = array<i32>} : memref<128x128xf32, #tpu.memory_space<vmem>>, vector<1x16xf32>,
      %swap3A_216 = arith.index_cast %add3A_138 : i32 to index
      %swap3A_217 = arith.constant 32 : index
      %swap3A_218 = tpu.vector_load %arg8[%swap3A_216, %swap3A_217] {strides = array<i32>} : memref<128x128xf32, #tpu.memory_space<vmem>>, vector<1x16xf32>,
      %swap3A_219 = vector.shape_cast %swap3A_218 : vector<1x16xf32> to vector<16xf32>
      %swap3A_220 = vector.shape_cast %scan3A_204#2 : vector<16xf32> to vector<1x16xf32>
      tpu.vector_store %arg8[%swap3A_216, %swap3A_217], %swap3A_220 {strides = array<i32>} : memref<128x128xf32, #tpu.memory_space<vmem>>, vector<1x16xf32>,
      %swap3A_221 = arith.index_cast %add3A_138 : i32 to index
      %swap3A_222 = arith.constant 48 : index
      %swap3A_223 = tpu.vector_load %arg8[%swap3A_221, %swap3A_222] {strides = array<i32>} : memref<128x128xf32, #tpu.memory_space<vmem>>, vector<1x16xf32>,
      %swap3A_224 = vector.shape_cast %swap3A_223 : vector<1x16xf32> to vector<16xf32>
      %swap3A_225 = vector.shape_cast %scan3A_204#3 : vector<16xf32> to vector<1x16xf32>
      tpu.vector_store %arg8[%swap3A_221, %swap3A_222], %swap3A_225 {strides = array<i32>} : memref<128x128xf32, #tpu.memory_space<vmem>>, vector<1x16xf32>,
      %swap3A_226 = arith.index_cast %add3A_138 : i32 to index
      %swap3A_227 = arith.constant 64 : index
      %swap3A_228 = tpu.vector_load %arg8[%swap3A_226, %swap3A_227] {strides = array<i32>} : memref<128x128xf32, #tpu.memory_space<vmem>>, vector<1x16xf32>,
      %swap3A_229 = vector.shape_cast %swap3A_228 : vector<1x16xf32> to vector<16xf32>
      %swap3A_230 = vector.shape_cast %scan3A_204#4 : vector<16xf32> to vector<1x16xf32>
      tpu.vector_store %arg8[%swap3A_226, %swap3A_227], %swap3A_230 {strides = array<i32>} : memref<128x128xf32, #tpu.memory_space<vmem>>, vector<1x16xf32>,
      %swap3A_231 = arith.index_cast %add3A_138 : i32 to index
      %swap3A_232 = arith.constant 80 : index
      %swap3A_233 = tpu.vector_load %arg8[%swap3A_231, %swap3A_232] {strides = array<i32>} : memref<128x128xf32, #tpu.memory_space<vmem>>, vector<1x16xf32>,
      %swap3A_234 = vector.shape_cast %swap3A_233 : vector<1x16xf32> to vector<16xf32>
      %swap3A_235 = vector.shape_cast %scan3A_204#5 : vector<16xf32> to vector<1x16xf32>
      tpu.vector_store %arg8[%swap3A_231, %swap3A_232], %swap3A_235 {strides = array<i32>} : memref<128x128xf32, #tpu.memory_space<vmem>>, vector<1x16xf32>,
      %swap3A_236 = arith.index_cast %add3A_138 : i32 to index
      %swap3A_237 = arith.constant 96 : index
      %swap3A_238 = tpu.vector_load %arg8[%swap3A_236, %swap3A_237] {strides = array<i32>} : memref<128x128xf32, #tpu.memory_space<vmem>>, vector<1x16xf32>,
      %swap3A_239 = vector.shape_cast %swap3A_238 : vector<1x16xf32> to vector<16xf32>
      %swap3A_240 = vector.shape_cast %scan3A_204#6 : vector<16xf32> to vector<1x16xf32>
      tpu.vector_store %arg8[%swap3A_236, %swap3A_237], %swap3A_240 {strides = array<i32>} : memref<128x128xf32, #tpu.memory_space<vmem>>, vector<1x16xf32>,
      %swap3A_241 = arith.index_cast %add3A_138 : i32 to index
      %swap3A_242 = arith.constant 112 : index
      %swap3A_243 = tpu.vector_load %arg8[%swap3A_241, %swap3A_242] {strides = array<i32>} : memref<128x128xf32, #tpu.memory_space<vmem>>, vector<1x16xf32>,
      %swap3A_244 = vector.shape_cast %swap3A_243 : vector<1x16xf32> to vector<16xf32>
      %swap3A_245 = vector.shape_cast %scan3A_204#7 : vector<16xf32> to vector<1x16xf32>
      tpu.vector_store %arg8[%swap3A_241, %swap3A_242], %swap3A_245 {strides = array<i32>} : memref<128x128xf32, #tpu.memory_space<vmem>>, vector<1x16xf32>,
    }
    %scan3A_30 = arith.constant 64 : i32
    "tpu.region"() ({
      %run_scoped3A = tpu.sem_alloc : memref<!tpu.dma_semaphore, #tpu.memory_space<semaphore_mem>>
      %dma_start3A_31 = arith.constant 0 : i32
      %dma_start3A_32 = tpu.memref_slice %arg5[%mul3A_2, %dma_start3A_31] : memref<4096x128xf32, #tpu.memory_space<hbm>> -> memref<128x128xf32, #tpu.memory_space<hbm>>
      %dma_start3A_33 = arith.constant 0 : i32
      %dma_start3A_34 = tpu.memref_slice %arg5[%mul3A_2, %dma_start3A_33] : memref<4096x128xf32, #tpu.memory_space<hbm>> -> memref<128x128xf32, #tpu.memory_space<hbm>>
      tpu.enqueue_dma source(%arg8 : memref<128x128xf32, #tpu.memory_space<vmem>>) target(%dma_start3A_34 : memref<128x128xf32, #tpu.memory_space<hbm>>) target_semaphore(%run_scoped3A : memref<!tpu.dma_semaphore, #tpu.memory_space<semaphore_mem>>)
      %dma_wait3A = arith.constant 0 : i32
      %dma_wait3A_35 = tpu.memref_slice %arg5[%mul3A_2, %dma_wait3A] : memref<4096x128xf32, #tpu.memory_space<hbm>> -> memref<128x128xf32, #tpu.memory_space<hbm>>
      %dma_wait3A_36 = arith.constant 0 : i32
      %dma_wait3A_37 = tpu.memref_slice %arg5[%mul3A_2, %dma_wait3A_36] : memref<4096x128xf32, #tpu.memory_space<hbm>> -> memref<128x128xf32, #tpu.memory_space<hbm>>
      tpu.wait_dma2 semaphore(%run_scoped3A : memref<!tpu.dma_semaphore, #tpu.memory_space<semaphore_mem>>) src(%arg8 : memref<128x128xf32, #tpu.memory_space<vmem>>) dst(%dma_wait3A_37 : memref<128x128xf32, #tpu.memory_space<hbm>>)
      tpu.yield
    }) : () -> ()
    return
  }
}

</mosaic_0001>

<sc_bundles>
// kernel: _bow.3.cloned.1.call-start
scs
__scs_entry_jumppad:
0x0: {  	(pc) =	sbr.rel $0x88, $3  }
0x1: {  	(tag) =	ssettag $0x0;
	lr =	simm.s32 $0x1  }
0x2: {  	[smem:$0x3F9E] =	sst lr;
	_ =	strace $0xD0000000  }
0x3: {  	_ = 	snop  }
0x4: {  	_ = 	snop  }
0x5: {  	_ = 	snop  }
0x6: {  	_ = 	snop  }
0x7: {  	_ = 	snop  }
__scs_overlays_trampoline_lowered:
0x8: {  	[smem:$0x3FAD] =	sst s0  }
0x9: {  	[smem:$0x3FAE] =	sst s1  }
0xa: {  	[smem:$0x3FAF] =	sst s2  }
0xb: {  	[smem:$0x3FB0] =	sst s3  }
0xc: {  	[smem:$0x3FB1] =	sst s4  }
0xd: {  	[smem:$0x3FB2] =	sst s5  }
0xe: {  	[smem:$0x3FB3] =	sst s6  }
0xf: {  	[smem:$0x3FB4] =	sst s7  }
0x10: {  	[smem:$0x3FB5] =	sst s8  }
0x11: {  	[smem:$0x3FB6] =	sst s9;
	s0 =	simm.s32 @!p0 $0x0  }
0x12: {  	s1 =	sld [smem:$0x3F9C];
	s0 =	simm.s32 @p0 $0x1  }
0x13: {  	[smem:$0x3FB7] =	sst s0;
	s0 =	simm.s32 @!p1 $0x0  }
0x14: {  	s2 =	sld [smem:$0x3F9B];
	s0 =	simm.s32 @p1 $0x1  }
0x15: {  	[smem:$0x3FB8] =	sst s0;
	s0 =	simm.s32 @!p2 $0x0  }
0x16: {  	s3 =	sld [smem:$0x3FDB];
	s0 =	simm.s32 @p2 $0x1  }
0x17: {  	s4 =	simm.s32 $0x1BF5;
	[smem:$0x3FBA] =	sst s0  }
0x18: {  	s0 =	sld [smem:$0x3F9D];
	_ =	swait.ge [sflag:s4], $0x0  }
0x19: {  	s7 =	sld [smem:$0x3F9E]  }
0x1a: {  	s8 =	sadd.s32 $0xFFFFE003, lr  }
0x1b: {  	s9 =	sadd.s32 $0xFFFFFEF7, lr;
	s5 =	simm.s32 $0xFFFFFFFF;
	p2 =	slt.u32 s8, $0xFFFFF086  }
0x1c: {  	p1 =	slt.u32 s9, $0xF7A;
	s5 =	simm.s32 @!p2 $0x0  }
0x1d: {  	s5 =	simm.s32 @p1 $0x1;
	p0 =	seq.s32 s7, s2  }
0x1e: {  	s7 =	smul.u32 @!p0 $0xF7A, s2;
	p2 =	seq.s32 @!p0 s5, $0x0  }
0x1f: {  	s9 =	smul.u32 $0xF7A, s1;
	s8 =	simm.s32 @!p0 $0x1BF5;
	p2 =	por !p2, p0  }
0x20: {  	[sflag:s8] =	ssyncset.s32 @!p0 $0xFFFFF086;
	s6 =	sadd.s32 @!p0 s3, s7;
	s7 =	simm.s32 @!p0 $0x108  }
0x21: {  	s3 =	sadd.s32 s3, s9;
	s6 =	sadd.s32 @!p0 $0x88, s6;
	s7 =	simm.s32 @p2 $0x1082  }
0x22: {  	[simem:s7], [sflag:s8] =	dma.local @!p0 [hbm:s6], $0xF7A  }
0x23: {  	s9 =	sor.u32 $0xD0000000, s2;
	s6 =	simm.s32 $0x108;
	_ =	swait.ge @!p0 [sflag:s8], $0x0  }
0x24: {  	s3 =	sadd.s32 $0x88, s3;
	s6 =	simm.s32 @!p1 $0x1082;
	[sflag:s4] =	ssyncset.s32 $0xFFFFF086  }
0x25: {  	[simem:s6], [sflag:s4] =	dma.local [hbm:s3], $0xF7A  }
0x26: {  	[smem:$0x3F9E] =	sst s1;
	(tag) =	ssettag s2;
	_ =	strace s9  }
0x27: {  	s1 =	sld [smem:$0x3FAE]  }
0x28: {  	s2 =	sld [smem:$0x3FAF]  }
0x29: {  	s4 =	sld [smem:$0x3FB1]  }
0x2a: {  	p0 =	seq.s32 s5, $0x0;
	s5 =	sld [smem:$0x3FB2]  }
0x2b: {  	s6 =	sld [smem:$0x3FB3]  }
0x2c: {  	s7 =	sld [smem:$0x3FB4]  }
0x2d: {  	s3 =	simm.s32 $0x108;
	s8 =	sld [smem:$0x3FB5]  }
0x2e: {  	s3 =	simm.s32 @!p0 $0x1082;
	s9 =	sld [smem:$0x3FB6]  }
0x2f: {  	lr =	sadd.s32 s0, s3;
	s0 =	sld [smem:$0x3FAD]  }
0x30: {  	s3 =	sld [smem:$0x3FB0]  }
0x31: {  	[smem:$0x3FB9] =	sst s10  }
0x32: {  	s10 =	sld [smem:$0x3FB7];
	_ =	sdelay $0x3  }
0x33: {  	p0 =	seq.s32 s10, $0x1;
	s10 =	sld [smem:$0x3FB9];
	_ =	sdelay $0x3  }
0x34: {  	[smem:$0x3FB9] =	sst s10  }
0x35: {  	s10 =	sld [smem:$0x3FB8];
	_ =	sdelay $0x3  }
0x36: {  	p1 =	seq.s32 s10, $0x1;
	s10 =	sld [smem:$0x3FB9];
	_ =	sdelay $0x3  }
0x37: {  	[smem:$0x3FB9] =	sst s10  }
0x38: {  	s10 =	sld [smem:$0x3FBA]  }
0x39: {  	_ = 	snop;
	(pc) =	sbr.ind lr, $3  }
0x3a: {  	_ = 	snop  }
0x3b: {  	_ = 	snop  }
0x3c: {  	p2 =	seq.s32 s10, $0x1;
	s10 =	sld [smem:$0x3FB9]  }
0x3d: {  	_ =	shalt  }
0x3e: {  	_ =	shalt  }
0x3f: {  	_ =	shalt  }
0x40: {  	_ =	shalt  }
0x41: {  	_ =	shalt  }
0x42: {  	_ =	shalt  }
0x43: {  	_ =	shalt  }
0x44: {  	_ =	shalt  }
0x45: {  	_ =	shalt  }
0x46: {  	_ =	shalt  }
0x47: {  	_ =	shalt  }
0x48: {  	_ =	shalt  }
0x49: {  	_ =	shalt  }
0x4a: {  	_ =	shalt  }
0x4b: {  	_ =	shalt  }
0x4c: {  	_ =	shalt  }
0x4d: {  	_ =	shalt  }
0x4e: {  	_ =	shalt  }
0x4f: {  	_ =	shalt  }
0x50: {  	_ =	shalt  }
0x51: {  	_ =	shalt  }
0x52: {  	_ =	shalt  }
0x53: {  	_ =	shalt  }
0x54: {  	_ =	shalt  }
0x55: {  	_ =	shalt  }
0x56: {  	_ =	shalt  }
0x57: {  	_ =	shalt  }
0x58: {  	_ =	shalt  }
0x59: {  	_ =	shalt  }
0x5a: {  	_ =	shalt  }
0x5b: {  	_ =	shalt  }
0x5c: {  	_ =	shalt  }
0x5d: {  	_ =	shalt  }
0x5e: {  	_ =	shalt  }
0x5f: {  	_ =	shalt  }
0x60: {  	_ =	shalt  }
0x61: {  	_ =	shalt  }
0x62: {  	_ =	shalt  }
0x63: {  	_ =	shalt  }
0x64: {  	_ =	shalt  }
0x65: {  	_ =	shalt  }
0x66: {  	_ =	shalt  }
0x67: {  	_ =	shalt  }
0x68: {  	_ =	shalt  }
0x69: {  	_ =	shalt  }
0x6a: {  	_ =	shalt  }
0x6b: {  	_ =	shalt  }
0x6c: {  	_ =	shalt  }
0x6d: {  	_ =	shalt  }
0x6e: {  	_ =	shalt  }
0x6f: {  	_ =	shalt  }
0x70: {  	_ =	shalt  }
0x71: {  	_ =	shalt  }
0x72: {  	_ =	shalt  }
0x73: {  	_ =	shalt  }
0x74: {  	_ =	shalt  }
0x75: {  	_ =	shalt  }
0x76: {  	_ =	shalt  }
0x77: {  	_ =	shalt  }
0x78: {  	_ =	shalt  }
0x79: {  	_ =	shalt  }
0x7a: {  	_ =	shalt  }
0x7b: {  	_ =	shalt  }
0x7c: {  	_ =	shalt  }
0x7d: {  	_ =	shalt  }
0x7e: {  	_ =	shalt  }
0x7f: {  	_ =	shalt  }
0x80: {  	_ =	shalt  }
0x81: {  	_ =	shalt  }
0x82: {  	_ =	shalt  }
0x83: {  	_ =	shalt  }
0x84: {  	_ =	shalt  }
0x85: {  	_ =	shalt  }
0x86: {  	_ =	shalt  }
0x87: {  	_ =	shalt  }
.Lfunc_end0:
.L_simem_size_0:
called_computation_lowered:
.L_overlay_start_0:
0x88: {  	s2 =	sld [smem:$0x3FD9]  }
0x89: {  	s3 =	sld [smem:$0x3FFE];
	_ =	sdelay $0x1  }
0x8a: {  	s1 =	srdreg.scid  }
0x8b: {  	s0 =	sand.u32 $0x1, s1  }
0x8c: {  	s17 =	sshll.u32 s0, $0xA;
	s2 =	sadd.s32 s3, s2  }
0x8d: {  	s2 =	sadd.s32 s2, s17  }
0x8e: {  	[smem:$0x3FC5] =	sst s2  }
0x8f: {  	_ = 	snop  }
0x90: {  	s2 =	sld [smem:$0x3FC8]  }
0x91: {  	s18 =	sld [smem:$0x3FC7]  }
0x92: {  	s4 =	sld [smem:$0x3FD0];
	(tm) =	ssettm $0x1  }
0x93: {  	s5 =	sld [smem:$0x3FFB];
	_ =	sdelay $0x3  }
0x94: {  	_ =	strace s5  }
0x95: {  	s5 =	sld [smem:$0x3FFC];
	_ =	sdelay $0x3  }
0x96: {  	_ =	strace s5  }
0x97: {  	s5 =	sld [smem:$0x3FFD];
	_ =	sdelay $0x3  }
0x98: {  	_ =	strace s5  }
0x99: {  	_ =	strace $0x8FFFFFFF  }
0x9a: {  	s19 =	sld [smem:$0x3FDB];
	_ =	sdelay $0x1  }
0x9b: {  	s6 =	simm.s32 $_scs_section_size  }
0x9c: {  	s7 =	simm.s32 $_size__tile_overlayer_lowered;
	s8 =	simm.s32 $_tile_overlayer_lowered  }
0x9d: {  	s22 =	simm.s32 $0x1BFF;
	s21 =	sshll.u32 s8, $0x1;
	s5 =	sadd.s32 s6, s19  }
0x9e: {  	s9 =	simm.s32 $0x0;
	s20 =	sshll.u32 s7, $0x1;
	s7 =	sadd.s32 s21, s5  }
0x9f: {  	[timem:s9], [sflag:s22] =	dma.local [hbm:s7], s20  }
0xa0: {  	_ =	swait.ge [sflag:s22], s20  }
0xa1: {  	s6 =	ssub.s32 $0x0, s20;
	[sflag:s22] =	ssyncset.done $0x0  }
0xa2: {  	[sflag:s22] =	ssyncadd.s32 s6;
	_ =	sdelay $0x1  }
0xa3: {  	s23 =	simm.s32 $0x1B8B  }
0xa4: {  	_ =	swait.ge [sflag:s23], $0x1  }
0xa5: {  	[sflag:s23] =	ssyncset.done $0x0  }
0xa6: {  	s25 =	simm.s32 $0x1B8E;
	s24 =	sld [smem:$0x3FFE];
	[sflag:s23] =	ssyncadd.s32 $0xFFFFFFFF  }
0xa7: {  	s26 =	simm.s32 $execute0_lowered;
	[smem:$0x3FD2] =	sst s25  }
0xa8: {  	s7 =	sshll.u32 s26, $0x1;
	_ =	strace $0x80000046;
	[dreg:$0x1] =	wrdreg $0xFFFFFFFF  }
0xa9: {  	s28 =	simm.s32 $_size_execute0_lowered;
	s5 =	sadd.s32 s5, s7;
	[dreg:$0x0] =	wrdreg $0x0  }
0xaa: {  	s7 =	sshll.u32 s28, $0x1;
	[dreg:$0x2] =	wrdreg s5  }
0xab: {  	[dreg:$0x3] =	wrdreg s7  }
0xac: {  	[dreg:$0x4] =	wrdreg $0xC0  }
0xad: {  	_ =	task [dreg:s9], $0x5FFFF  }
0xae: {  	[dreg:$0x1] =	wrdreg $0xFFFFFFFF  }
0xaf: {  	[dreg:$0x0] =	wrdreg $0x60  }
0xb0: {  	[dreg:$0x2] =	wrdreg s24  }
0xb1: {  	[dreg:$0x3] =	wrdreg s2  }
0xb2: {  	[dreg:$0x4] =	wrdreg s18  }
0xb3: {  	[dreg:$0x5] =	wrdreg s4  }
0xb4: {  	[dreg:$0x6] =	wrdreg $0x9  }
0xb5: {  	_ =	task.clear_ibuf [dreg:s9], $0x7FFFF;
	_ =	strace $0x90000046  }
0xb6: {  	s29 =	simm.s32 $0x9;
	_ =	strace $0x80000048  }
0xb7: {  	_ =	swait.ge [sflag:s29], $0x1  }
0xb8: {  	[sflag:s29] =	ssyncadd.s32 $0xFFFFFFFF  }
0xb9: {  	_ =	strace $0x90000048  }
0xba: {  	_ =	sfence  }
0xbb: {  	s30 =	sld [smem:$0x0];
	_ =	sdelay $0x2  }
0xbc: {  	s31 =	sshll.u32 s1, $0xD;
	s1 =	sshrl.u32 s1, $0x2  }
0xbd: {  	s3 =	sand.u32 $0x4000, s31;
	s1 =	sadd.s32 s1, s30  }
0xbe: {  	s0 =	sor.u32 s3, s0;
	s1 =	sshll.u32 s1, $0x11  }
0xbf: {  	s0 =	sor.u32 s1, s0  }
0xc0: {  	s0 =	sadd.s32 $0x8F2B, s0  }
0xc1: {  	[sflag:s0] =	ssyncadd.remote.s32 $0x1  }
0xc2: {  	_ =	sfence.sel $0xFFFF  }
0xc3: {  	[dreg:$0x0] =	wrdreg $0xFFFFFFFF;
	(pc) =	sbr.abs _section_cstart, $3  }
0xc4: {  	[dreg:$0x1] =	wrdreg $0xFFFFFFFF  }
0xc5: {  	_ =	task.clear_ibuf [dreg:s9], $0x2FFFF;
	_ =	strace $0x9FFFFFFF  }
0xc6: {  	(tm) =	ssettm $0x7FFFFFFF  }
0xc7: {  	_ =	shalt  }
tec
execute0_lowered:
.L_overlay_start_1:
0x0: {  	(tag) =	ssettag $0x1  }
0x1: {  	s5 =	rddreg [dreg:$0x0]  }
0x2: {  	s1 =	rddreg [dreg:$0x1]  }
0x3: {  	s2 =	srdreg.scid;
	s3 =	rddreg [dreg:$0x2]  }
0x4: {  	s0 =	stileid.u32;
	s7 =	rddreg [dreg:$0x3]  }
0x5: {  	s4 =	simm.s32 $0x0;
	s10 =	simm.s32 $0x80;
	s11 =	simm.s32 $0x8000  }
0x6: {  	s12 =	simm.s32 $0x48;
	s13 =	simm.s32 $0x400;
	s14 =	simm.s32 $0xC000  }
0x7: {  	s15 =	simm.s32 $0xE400;
	s16 =	simm.s32 $0x12400;
	s17 =	simm.s32 $0x1  }
0x8: {  	s18 =	simm.s32 $0x2;
	s19 =	simm.s32 $0x14800;
	s20 =	simm.s32 $0x0  }
0x9: {  	s6 =	sand.u32 $0x1, s2;
	s8 =	sshll.u32 s0, $0x8;
	s2 =	rddreg [dreg:$0x4]  }
0xa: {  	[smem:$0x7FF] =	sst s4;
	s9 =	sshll.u32 s6, $0x7;
	s6 =	ssub.s32 $0x2, s6  }
0xb: {  	_ =	strace $0x80000047;
	s8 =	sor.u32 s9, s8;
	s30 =	sshrl.u32 s6, $0x1  }
0xc: {  	s9 =	sshll.u32 s8, $0x5;
	s31 =	sshll.u32 s8, $0x4;
	s8 =	simm.s32 $0x3  }
0xd: {  	s5 =	sadd.s32 s9, s5;
	s9 =	ssub.s32 s6, s30;
	s6 =	sadd.s32 s7, s31  }
0xe: {  	s5 =	sadd.s32 $0x400, s5;
	s7 =	smax.u32 s9, $0x1;
	s9 =	simm.s32 $0x18800  }
.LBB2_1:
0xf: {  	[tilespmem:s4], [sflag:$0x3] =	stream.linear.gather [hbm4b:s5+s4], $0x8000, $0x38;
	[tilespmem:$0x18880] =	vst v63  }
0x10: {  	_ =	swait.ge [sflag:s8], $0x8000  }
0x11: {  	[sflag:s8] =	ssyncset.done $0x0  }
0x12: {  	[sflag:s8] =	ssyncadd.s32 $0xFFFF8000  }
0x13: {  	[tilespmem:s9], [sflag:$0x3] =	stream.linear.gather [hbm4b:s3+s4], $0x80, $0x38;
	[tilespmem:$0x18880] =	vst v63  }
0x14: {  	_ =	swait.ge [sflag:s8], $0x80  }
0x15: {  	[sflag:s8] =	ssyncset.done $0x0  }
0x16: {  	[sflag:s8] =	ssyncadd.s32 $0xFFFFFF80  }
0x17: {  	[tilespmem:s11], [sflag:$0x1] =	stream.indirect.gather [hbm4b:s1+s10], $0x80, s4, s10, $0xb8;
	[tilespmem:$0x18880] =	vst v63  }
0x18: {  	s21 =	simm.s32 $0x0  }
0x19: {  	[tilespmem:s14], [sflag:$0x1] =	stream.indirect.gather [hbm4b:s1+s12], $0x80, s13, s12, $0xb8;
	[tilespmem:$0x18880] =	vst v63  }
.LBB2_2:
0x1a: {  	s23 =	sshll.u32 s21, $0x8  }
0x1b: {  	s24 =	sshll.u32 s21, $0x9;
	s22 =	sor.u32 $0x80, s23  }
0x1c: {  	s24 =	sand.u32 $0x7800, s24;
	s25 =	sand.u32 $0x380, s22  }
0x1d: {  	s24 =	sor.u32 s25, s24  }
0x1e: {  	[tilespmem:s15], [sflag:$0x2] =	stream.indirect.gather [hbm4b:s1+s10], $0x80, s24, s10, $0xb8;
	[tilespmem:$0x18880] =	vst v63  }
0x1f: {  	s24 =	sor.u32 $0x400, s24  }
0x20: {  	[tilespmem:s16], [sflag:$0x2] =	stream.indirect.gather [hbm4b:s1+s12], $0x80, s24, s12, $0xb8;
	[tilespmem:$0x18880] =	vst v63  }
0x21: {  	_ =	swait.ge [sflag:s17], $0x4000  }
0x22: {  	[sflag:s17] =	ssyncset.done $0x0  }
0x23: {  	[sflag:s17] =	ssyncadd.s32 $0xFFFFC000  }
0x24: {  	_ =	swait.ge [sflag:s17], $0x2400  }
0x25: {  	[sflag:s17] =	ssyncset.done $0x0  }
0x26: {  	[sflag:s17] =	ssyncadd.s32 $0xFFFFDC00  }
0x27: {  	v4 =	vld [tilespmem:$0x18800]  }
0x28: {  	v5 =	vld [tilespmem:$0x18810]  }
0x29: {  	v6 =	vld [tilespmem:$0x18820]  }
0x2a: {  	v7 =	vld [tilespmem:$0x18830]  }
0x2b: {  	v10 =	vld [tilespmem:$0x18840]  }
0x2c: {  	v12 =	vld [tilespmem:$0x18850]  }
0x2d: {  	v13 =	vld [tilespmem:$0x18860]  }
0x2e: {  	s31 =	simm.s32 $0x8100;
	v14 =	vld [tilespmem:$0x18870]  }
0x2f: {  	v9 =	vld [tilespmem:s31+$0x80]  }
0x30: {  	v15 =	vld [tilespmem:s31+$0x90]  }
0x31: {  	v16 =	vld [tilespmem:s31+$0xA0]  }
0x32: {  	v17 =	vld [tilespmem:s31+$0xB0]  }
0x33: {  	v0 =	vld [tilespmem:s31+$0xC0]  }
0x34: {  	v1 =	vld [tilespmem:s31+$0xD0]  }
0x35: {  	v8 =	vld [tilespmem:s31+$0x0]  }
0x36: {  	v11 =	vld [tilespmem:s31+$0x10]  }
0x37: {  	v18 =	vld [tilespmem:s31+$0x20]  }
0x38: {  	v19 =	vld [tilespmem:s31+$0x30]  }
0x39: {  	v3 =	vld [tilespmem:s31+$0x40]  }
0x3a: {  	v2 =	vld [tilespmem:s31+$0x50]  }
0x3b: {  	v20 =	vld [tilespmem:s31+$0xFFFFFF80]  }
0x3c: {  	v21 =	vld [tilespmem:s31+$0xFFFFFF90]  }
0x3d: {  	v22 =	vld [tilespmem:s31+$0xFFFFFF00]  }
0x3e: {  	v23 =	vld [tilespmem:s31+$0xFFFFFF10]  }
0x3f: {  	v24 =	vld [tilespmem:s31+$0xFFFFFF20]  }
0x40: {  	v25 =	vld [tilespmem:s31+$0xFFFFFF30]  }
0x41: {  	v63 =	vld [tilespmem:s31+$0xFFFFFF70]  }
0x42: {  	v26 =	vld [tilespmem:s31+$0xFFFFFFA0]  }
0x43: {  	v27 =	vld [tilespmem:s31+$0xFFFFFFB0]  }
0x44: {  	v28 =	vld [tilespmem:s31+$0xFFFFFFC0];
	v4 =	vadd.f32 v22, v4;
	v5 =	vadd.f32 v23, v5  }
0x45: {  	v59 =	vld [tilespmem:s31+$0xFFFFFFD0];
	v6 =	vadd.f32 v24, v6;
	v7 =	vadd.f32 v25, v7  }
0x46: {  	v60 =	vld [tilespmem:s31+$0xFFFFFF40];
	v14 =	vadd.f32 v63, v14;
	v4 =	vadd.f32 v20, v4  }
0x47: {  	v61 =	vld [tilespmem:s31+$0xFFFFFF50];
	v5 =	vadd.f32 v21, v5;
	v6 =	vadd.f32 v26, v6  }
0x48: {  	v62 =	vld [tilespmem:s31+$0xFFFFFF60];
	v7 =	vadd.f32 v27, v7;
	v4 =	vadd.f32 v8, v4  }
0x49: {  	v5 =	vadd.f32 v11, v5;
	v8 =	vld [tilespmem:s31+$0xFFFFFFE0];
	v18 =	vadd.f32 v18, v6  }
0x4a: {  	v19 =	vadd.f32 v19, v7;
	v11 =	vld [tilespmem:s31+$0xFFFFFFF0];
	v7 =	vadd.f32 v9, v4  }
0x4b: {  	v6 =	vadd.f32 v15, v5;
	v9 =	vld [tilespmem:s31+$0x60];
	v5 =	vadd.f32 v16, v18  }
0x4c: {  	v16 =	vadd.f32 v60, v10;
	v18 =	vadd.f32 v61, v12;
	v12 =	vld [tilespmem:s31+$0x70]  }
0x4d: {  	v4 =	vadd.f32 v17, v19;
	v15 =	vadd.f32 v62, v13;
	v10 =	vld [tilespmem:s31+$0xE0]  }
0x4e: {  	s25 =	simm.s32 $0x8300;
	s24 =	simm.s32 $0x0;
	v13 =	vld [tilespmem:s31+$0xF0];
	v17 =	vadd.f32 v28, v16;
	v16 =	vadd.f32 v59, v18  }
.LBB2_3:
0x4f: {  	v18 =	vld [tilespmem:s25+$0x80];
	v8 =	vadd.f32 v8, v15;
	v11 =	vadd.f32 v11, v14  }
0x50: {  	v14 =	vld [tilespmem:s25+$0x90];
	v3 =	vadd.f32 v3, v17;
	v2 =	vadd.f32 v2, v16  }
0x51: {  	v15 =	vld [tilespmem:s25+$0xA0];
	v8 =	vadd.f32 v9, v8;
	v9 =	vadd.f32 v12, v11  }
0x52: {  	v12 =	vld [tilespmem:s25+$0xB0];
	v16 =	vadd.f32 v0, v3;
	v17 =	vadd.f32 v1, v2  }
0x53: {  	v0 =	vld [tilespmem:s25+$0xC0];
	v10 =	vadd.f32 v10, v8;
	v13 =	vadd.f32 v13, v9  }
0x54: {  	v1 =	vld [tilespmem:s25+$0xD0]  }
0x55: {  	v8 =	vld [tilespmem:s25+$0x0]  }
0x56: {  	v9 =	vld [tilespmem:s25+$0x10]  }
0x57: {  	v11 =	vld [tilespmem:s25+$0x20]  }
0x58: {  	v19 =	vld [tilespmem:s25+$0x30]  }
0x59: {  	v3 =	vld [tilespmem:s25+$0x40]  }
0x5a: {  	v2 =	vld [tilespmem:s25+$0x50]  }
0x5b: {  	v20 =	vld [tilespmem:s25+$0xFFFFFF80]  }
0x5c: {  	v21 =	vld [tilespmem:s25+$0xFFFFFF90]  }
0x5d: {  	v22 =	vld [tilespmem:s25+$0xFFFFFF00]  }
0x5e: {  	v23 =	vld [tilespmem:s25+$0xFFFFFF10]  }
0x5f: {  	v24 =	vld [tilespmem:s25+$0xFFFFFF20]  }
0x60: {  	v25 =	vld [tilespmem:s25+$0xFFFFFF30]  }
0x61: {  	v26 =	vld [tilespmem:s25+$0xFFFFFFA0]  }
0x62: {  	v27 =	vld [tilespmem:s25+$0xFFFFFFB0]  }
0x63: {  	v28 =	vld [tilespmem:s25+$0xFFFFFFC0]  }
0x64: {  	v7 =	vadd.f32 v22, v7;
	v6 =	vadd.f32 v23, v6;
	v22 =	vld [tilespmem:s25+$0xFFFFFFD0]  }
0x65: {  	v5 =	vadd.f32 v24, v5;
	v4 =	vadd.f32 v25, v4;
	v23 =	vld [tilespmem:s25+$0xFFFFFF40]  }
0x66: {  	v7 =	vadd.f32 v20, v7;
	v6 =	vadd.f32 v21, v6;
	v24 =	vld [tilespmem:s25+$0xFFFFFF50]  }
0x67: {  	v5 =	vadd.f32 v26, v5;
	v20 =	vld [tilespmem:s25+$0xFFFFFF60];
	v4 =	vadd.f32 v27, v4  }
0x68: {  	s24 =	sadd.s32 $0x4, s24;
	v7 =	vadd.f32 v8, v7;
	v6 =	vadd.f32 v9, v6;
	v21 =	vld [tilespmem:s25+$0xFFFFFF70]  }
0x69: {  	p0 =	slt.u32 s24, $0xC4;
	v5 =	vadd.f32 v11, v5;
	v8 =	vld [tilespmem:s25+$0xFFFFFFE0];
	v4 =	vadd.f32 v19, v4  }
.Ltmp0:
0x6a: {  	v7 =	vadd.f32 v18, v7;
	v6 =	vadd.f32 v14, v6;
	v11 =	vld [tilespmem:s25+$0xFFFFFFF0];
	(pc) =	sbr.rel @p0 .LBB2_3-.Ltmp0, $4  }
0x6b: {  	v5 =	vadd.f32 v15, v5;
	v9 =	vld [tilespmem:s25+$0x60];
	v4 =	vadd.f32 v12, v4  }
0x6c: {  	v16 =	vadd.f32 v23, v16;
	v18 =	vadd.f32 v24, v17;
	v12 =	vld [tilespmem:s25+$0x70]  }
0x6d: {  	v15 =	vadd.f32 v20, v10;
	v14 =	vadd.f32 v21, v13;
	v10 =	vld [tilespmem:s25+$0xE0]  }
0x6e: {  	v17 =	vadd.f32 v28, v16;
	v16 =	vadd.f32 v22, v18;
	v13 =	vld [tilespmem:s25+$0xF0];
	s25 =	sadd.s32 $0x200, s25  }
0x6f: {  	s23 =	sand.u32 $0x3FFFFF00, s23  }
0x70: {  	v8 =	vadd.f32 v8, v15;
	v3 =	vadd.f32 v3, v17;
	[tilespmem:s23+$0x14800] =	vst v7  }
0x71: {  	v7 =	vadd.f32 v11, v14;
	v2 =	vadd.f32 v2, v16;
	[tilespmem:s23+$0x14810] =	vst v6  }
0x72: {  	p0 =	seq.s32 s21, $0x3F;
	[tilespmem:s23+$0x14820] =	vst v5;
	v6 =	vadd.f32 v9, v8;
	v0 =	vadd.f32 v0, v3  }
0x73: {  	[tilespmem:s23+$0x14830] =	vst v4;
	s24 =	sshll.u32 @!p0 s21, $0x1;
	v3 =	vadd.f32 v12, v7;
	v1 =	vadd.f32 v1, v2  }
0x74: {  	s24 =	sadd.s32 @!p0 $0x2, s24;
	v2 =	vadd.f32 v10, v6;
	[tilespmem:s23+$0x14840] =	vst v0  }
0x75: {  	s25 =	sshll.u32 @!p0 s24, $0x8;
	s24 =	sshll.u32 @!p0 s24, $0x7;
	v0 =	vadd.f32 v13, v3;
	[tilespmem:s23+$0x14850] =	vst v1  }
0x76: {  	s25 =	sand.u32 @!p0 $0xF800, s25;
	s24 =	sand.u32 @!p0 $0x300, s24;
	[tilespmem:s23+$0x14860] =	vst v2  }
0x77: {  	[tilespmem:s23+$0x14870] =	vst v0;
	s23 =	sor.u32 @!p0 s24, s25;
	s24 =	simm.s32 @!p0 $0x80;
	s25 =	simm.s32 @!p0 $0x8000  }
0x78: {  	[tilespmem:s25], [sflag:$0x1] =	stream.indirect.gather @!p0 [hbm4b:s1+s24], $0x80, s23, s24, $0xb8;
	[tilespmem:$0x18880] =	vst v63  }
0x79: {  	s23 =	sor.u32 @!p0 $0x400, s23;
	s24 =	simm.s32 @!p0 $0x48;
	s25 =	simm.s32 @!p0 $0xC000  }
0x7a: {  	[tilespmem:s25], [sflag:$0x1] =	stream.indirect.gather @!p0 [hbm4b:s1+s24], $0x80, s23, s24, $0xb8;
	[tilespmem:$0x18880] =	vst v63  }
0x7b: {  	_ =	swait.ge [sflag:s18], $0x4000  }
0x7c: {  	[sflag:s18] =	ssyncset.done $0x0  }
0x7d: {  	[sflag:s18] =	ssyncadd.s32 $0xFFFFC000  }
0x7e: {  	_ =	swait.ge [sflag:s18], $0x2400  }
0x7f: {  	[sflag:s18] =	ssyncset.done $0x0  }
0x80: {  	[sflag:s18] =	ssyncadd.s32 $0xFFFFDC00  }
0x81: {  	v4 =	vld [tilespmem:$0x18800]  }
0x82: {  	v5 =	vld [tilespmem:$0x18810]  }
0x83: {  	v6 =	vld [tilespmem:$0x18820]  }
0x84: {  	v7 =	vld [tilespmem:$0x18830]  }
0x85: {  	v11 =	vld [tilespmem:$0x18840]  }
0x86: {  	v12 =	vld [tilespmem:$0x18850]  }
0x87: {  	v13 =	vld [tilespmem:$0x18860]  }
0x88: {  	s31 =	simm.s32 $0xE400;
	v14 =	vld [tilespmem:$0x18870]  }
0x89: {  	v9 =	vld [tilespmem:s31+$0x180]  }
0x8a: {  	v15 =	vld [tilespmem:s31+$0x190]  }
0x8b: {  	v16 =	vld [tilespmem:s31+$0x1A0]  }
0x8c: {  	v17 =	vld [tilespmem:s31+$0x1B0]  }
0x8d: {  	v0 =	vld [tilespmem:s31+$0x1C0]  }
0x8e: {  	v1 =	vld [tilespmem:s31+$0x1D0]  }
0x8f: {  	v8 =	vld [tilespmem:s31+$0x100]  }
0x90: {  	v10 =	vld [tilespmem:s31+$0x110]  }
0x91: {  	v18 =	vld [tilespmem:s31+$0x120]  }
0x92: {  	v19 =	vld [tilespmem:s31+$0x130]  }
0x93: {  	v3 =	vld [tilespmem:s31+$0x140]  }
0x94: {  	v2 =	vld [tilespmem:s31+$0x150]  }
0x95: {  	v20 =	vld [tilespmem:s31+$0x80]  }
0x96: {  	v21 =	vld [tilespmem:s31+$0x90]  }
0x97: {  	v22 =	vld [tilespmem:s31+$0x0]  }
0x98: {  	v23 =	vld [tilespmem:s31+$0x10]  }
0x99: {  	v24 =	vld [tilespmem:s31+$0x20]  }
0x9a: {  	v25 =	vld [tilespmem:s31+$0x30]  }
0x9b: {  	v63 =	vld [tilespmem:s31+$0x70]  }
0x9c: {  	v26 =	vld [tilespmem:s31+$0xA0]  }
0x9d: {  	v27 =	vld [tilespmem:s31+$0xB0]  }
0x9e: {  	v28 =	vld [tilespmem:s31+$0xC0];
	v4 =	vadd.f32 v22, v4;
	v5 =	vadd.f32 v23, v5  }
0x9f: {  	v59 =	vld [tilespmem:s31+$0xD0];
	v6 =	vadd.f32 v24, v6;
	v7 =	vadd.f32 v25, v7  }
0xa0: {  	v60 =	vld [tilespmem:s31+$0x40];
	v14 =	vadd.f32 v63, v14;
	v4 =	vadd.f32 v20, v4  }
0xa1: {  	v61 =	vld [tilespmem:s31+$0x50];
	v5 =	vadd.f32 v21, v5;
	v6 =	vadd.f32 v26, v6  }
0xa2: {  	v62 =	vld [tilespmem:s31+$0x60];
	v7 =	vadd.f32 v27, v7;
	v4 =	vadd.f32 v8, v4  }
0xa3: {  	v5 =	vadd.f32 v10, v5;
	v8 =	vld [tilespmem:s31+$0xE0];
	v18 =	vadd.f32 v18, v6  }
0xa4: {  	v19 =	vadd.f32 v19, v7;
	v10 =	vld [tilespmem:s31+$0xF0];
	v7 =	vadd.f32 v9, v4  }
0xa5: {  	v6 =	vadd.f32 v15, v5;
	v9 =	vld [tilespmem:s31+$0x160];
	v5 =	vadd.f32 v16, v18  }
0xa6: {  	v16 =	vadd.f32 v60, v11;
	v18 =	vadd.f32 v61, v12;
	v12 =	vld [tilespmem:s31+$0x170]  }
0xa7: {  	v4 =	vadd.f32 v17, v19;
	v15 =	vadd.f32 v62, v13;
	v11 =	vld [tilespmem:s31+$0x1E0]  }
0xa8: {  	s23 =	simm.s32 $0x0;
	s24 =	simm.s32 $0xE600;
	v13 =	vld [tilespmem:s31+$0x1F0];
	v17 =	vadd.f32 v28, v16;
	v16 =	vadd.f32 v59, v18  }
.LBB2_5:
0xa9: {  	v18 =	vld [tilespmem:s24+$0x180];
	v8 =	vadd.f32 v8, v15;
	v10 =	vadd.f32 v10, v14  }
0xaa: {  	v14 =	vld [tilespmem:s24+$0x190];
	v3 =	vadd.f32 v3, v17;
	v2 =	vadd.f32 v2, v16  }
0xab: {  	v15 =	vld [tilespmem:s24+$0x1A0];
	v8 =	vadd.f32 v9, v8;
	v9 =	vadd.f32 v12, v10  }
0xac: {  	v12 =	vld [tilespmem:s24+$0x1B0];
	v16 =	vadd.f32 v0, v3;
	v17 =	vadd.f32 v1, v2  }
0xad: {  	v0 =	vld [tilespmem:s24+$0x1C0];
	v11 =	vadd.f32 v11, v8;
	v13 =	vadd.f32 v13, v9  }
0xae: {  	v1 =	vld [tilespmem:s24+$0x1D0]  }
0xaf: {  	v8 =	vld [tilespmem:s24+$0x100]  }
0xb0: {  	v9 =	vld [tilespmem:s24+$0x110]  }
0xb1: {  	v10 =	vld [tilespmem:s24+$0x120]  }
0xb2: {  	v19 =	vld [tilespmem:s24+$0x130]  }
0xb3: {  	v3 =	vld [tilespmem:s24+$0x140]  }
0xb4: {  	v2 =	vld [tilespmem:s24+$0x150]  }
0xb5: {  	v20 =	vld [tilespmem:s24+$0x80]  }
0xb6: {  	v21 =	vld [tilespmem:s24+$0x90]  }
0xb7: {  	v22 =	vld [tilespmem:s24+$0x0]  }
0xb8: {  	v23 =	vld [tilespmem:s24+$0x10]  }
0xb9: {  	v24 =	vld [tilespmem:s24+$0x20]  }
0xba: {  	v25 =	vld [tilespmem:s24+$0x30]  }
0xbb: {  	v26 =	vld [tilespmem:s24+$0xA0]  }
0xbc: {  	v27 =	vld [tilespmem:s24+$0xB0]  }
0xbd: {  	v28 =	vld [tilespmem:s24+$0xC0]  }
0xbe: {  	v7 =	vadd.f32 v22, v7;
	v6 =	vadd.f32 v23, v6;
	v22 =	vld [tilespmem:s24+$0xD0]  }
0xbf: {  	v5 =	vadd.f32 v24, v5;
	v4 =	vadd.f32 v25, v4;
	v23 =	vld [tilespmem:s24+$0x40]  }
0xc0: {  	v7 =	vadd.f32 v20, v7;
	v6 =	vadd.f32 v21, v6;
	v24 =	vld [tilespmem:s24+$0x50]  }
0xc1: {  	v5 =	vadd.f32 v26, v5;
	v20 =	vld [tilespmem:s24+$0x60];
	v4 =	vadd.f32 v27, v4  }
0xc2: {  	s23 =	sadd.s32 $0x4, s23;
	v7 =	vadd.f32 v8, v7;
	v6 =	vadd.f32 v9, v6;
	v21 =	vld [tilespmem:s24+$0x70]  }
0xc3: {  	p0 =	slt.u32 s23, $0xC4;
	v5 =	vadd.f32 v10, v5;
	v8 =	vld [tilespmem:s24+$0xE0];
	v4 =	vadd.f32 v19, v4  }
.Ltmp1:
0xc4: {  	v7 =	vadd.f32 v18, v7;
	v6 =	vadd.f32 v14, v6;
	v10 =	vld [tilespmem:s24+$0xF0];
	(pc) =	sbr.rel @p0 .LBB2_5-.Ltmp1, $4  }
0xc5: {  	v5 =	vadd.f32 v15, v5;
	v9 =	vld [tilespmem:s24+$0x160];
	v4 =	vadd.f32 v12, v4  }
0xc6: {  	v16 =	vadd.f32 v23, v16;
	v18 =	vadd.f32 v24, v17;
	v12 =	vld [tilespmem:s24+$0x170]  }
0xc7: {  	v15 =	vadd.f32 v20, v11;
	v14 =	vadd.f32 v21, v13;
	v11 =	vld [tilespmem:s24+$0x1E0]  }
0xc8: {  	v17 =	vadd.f32 v28, v16;
	v16 =	vadd.f32 v22, v18;
	v13 =	vld [tilespmem:s24+$0x1F0];
	s24 =	sadd.s32 $0x200, s24  }
0xc9: {  	_ = 	snop  }
0xca: {  	v8 =	vadd.f32 v8, v15;
	[tilespmem:s22+$0x14800] =	vst v7;
	v3 =	vadd.f32 v3, v17  }
0xcb: {  	v59 =	vadd.f32 v10, v14;
	[tilespmem:s22+$0x14810] =	vst v6;
	s21 =	sadd.s32 $0x1, s21;
	v2 =	vadd.f32 v2, v16  }
0xcc: {  	[tilespmem:s22+$0x14820] =	vst v5;
	p0 =	sne.s32 s21, $0x40;
	v60 =	vadd.f32 v9, v8;
	v0 =	vadd.f32 v0, v3  }
.Ltmp2:
0xcd: {  	[tilespmem:s22+$0x14830] =	vst v4;
	v61 =	vadd.f32 v12, v59;
	v1 =	vadd.f32 v1, v2;
	(pc) =	sbr.rel @p0 .LBB2_2-.Ltmp2, $4  }
0xce: {  	v62 =	vadd.f32 v11, v60;
	[tilespmem:s22+$0x14840] =	vst v0  }
0xcf: {  	v63 =	vadd.f32 v13, v61;
	[tilespmem:s22+$0x14850] =	vst v1  }
0xd0: {  	[tilespmem:s22+$0x14860] =	vst v62  }
0xd1: {  	[tilespmem:s22+$0x14870] =	vst v63  }
0xd2: {  	s20 =	sadd.s32 $0x1, s20  }
0xd3: {  	p0 =	sne.s32 s20, s7  }
.Ltmp3:
0xd4: {  	_ = 	snop;
	(pc) =	sbr.rel @p0 .LBB2_1-.Ltmp3, $4  }
0xd5: {  	[hbm4b:s6+s4] =	stream.linear.scatter [tilespmem:s19], [sflag:$0x3], $0x4000, $0x38;
	[tilespmem:$0x18880] =	vst v63  }
0xd6: {  	_ =	swait.ge [sflag:s8], $0x4000  }
0xd7: {  	[sflag:s8] =	ssyncset.done $0x0  }
0xd8: {  	[sflag:s8] =	ssyncadd.s32 $0xFFFFC000  }
0xd9: {  	_ =	sfence.sel $0x180000  }
0xda: {  	[bflag:$0x0] =	sbarrier.arrive $0xFFFF  }
0xdb: {  	p0 =	sne.s32 s0, $0x0;
	_ =	strace $0x90000047  }
0xdc: {  	s0 =	sadd.s32 @!p0 $0x100000, s2;
	[bflag:$0x2] =	sbarrier.arrive $0xFFFF  }
0xdd: {  	[sflag:s0] =	ssyncadd.tile.s32 @!p0 $0x1;
	_ =	shalt  }
.Lfunc_end2:
_tile_overlayer_lowered:
.L_overlay_start_2:
0xde: {  	(tag) =	ssettag $0x2  }
0xdf: {  	s0 =	rddreg [dreg:$0x0];
	s2 =	stileid.u32  }
0xe0: {  	s1 =	rddreg [dreg:$0x1];
	p0 =	sne.s32 s2, $0x0  }
0xe1: {  	s3 =	rddreg [dreg:$0x2];
	[bflag:$0x3] =	sbarrier.arrive $0xFFFF;
	s2 =	simm.s32 @!p0 $0x1C03  }
0xe2: {  	[timem:s3], [sflag:s2] =	dma.local @!p0 [hbm:s0], s1  }
0xe3: {  	s0 =	simm.s32 @!p0 $0x3  }
0xe4: {  	_ =	swait.ge @!p0 [sflag:s0], s1  }
0xe5: {  	s1 =	ssub.s32 @!p0 $0x0, s1;
	[sflag:s0] =	ssyncset.done @!p0 $0x0  }
0xe6: {  	[sflag:s0] =	ssyncadd.s32 @!p0 s1  }
0xe7: {  	[bflag:$0x3] =	sbarrier.arrive $0xFFFF  }
0xe8: {  	_ =	shalt  }

</sc_bundles>
